<compile_context>
chip_gen: v7x
topology: tpu7x:2x2x1
jax: 0.10.2.dev20260603
libtpu: 0.0.44.dev20260713+nightly
codegen_flags: <defaults>
</compile_context>

<pallas_src>
import functools

import jax
import jax.numpy as jnp
from jax import lax
from jax.experimental import pallas as pl
from jax.experimental.pallas import tpu as pltpu
from jax.experimental.pallas import tpu_sc as plsc

_N = 5000
_N_PAD = 5120
_BLK = 1024
_NBLK = _N_PAD // _BLK
_IOU_T = 0.3
_SCORE_T = 0.05

_NC = 2
_NS = 16
_L = 16
_NW = _NC * _NS
_RPW = _N_PAD // _NW
_CHUNK = 80


def _gather_body(btfin_hbm, scores_hbm, order_hbm, btf_hbm, sp_hbm,
                 ord_v, idx_v, btl_v, spl_v, sem):
    wid = lax.axis_index("s") * _NC + lax.axis_index("c")
    base = wid * _RPW
    pltpu.sync_copy(order_hbm.at[pl.ds(base, _RPW)], ord_v)
    copies = []
    for g in range(_RPW // _CHUNK):
        copies.append(pltpu.async_copy(
            scores_hbm.at[ord_v.at[pl.ds(g * _CHUNK, _CHUNK)]],
            spl_v.at[pl.ds(g * _CHUNK, _CHUNK)], sem))
    for c in range(4):
        for g in range(_RPW // _L):
            idx_v[pl.ds(c * _RPW + g * _L, _L)] = (
                ord_v[pl.ds(g * _L, _L)] + c * _N)
        for g in range(_RPW // _CHUNK):
            copies.append(pltpu.async_copy(
                btfin_hbm.at[idx_v.at[pl.ds(c * _RPW + g * _CHUNK, _CHUNK)]],
                btl_v.at[pl.ds(c * _RPW + g * _CHUNK, _CHUNK)], sem))
    for cp in copies:
        cp.wait()
    outs = [pltpu.async_copy(btl_v.at[pl.ds(c * _RPW, _RPW)],
                             btf_hbm.at[pl.ds(c * _N_PAD + base, _RPW)], sem)
            for c in range(4)]
    outs.append(pltpu.async_copy(spl_v, sp_hbm.at[pl.ds(base, _RPW)], sem))
    for cp in outs:
        cp.wait()


_gather_layout = functools.partial(
    pl.kernel,
    mesh=plsc.VectorSubcoreMesh(core_axis_name="c", subcore_axis_name="s"),
    out_type=[
        jax.ShapeDtypeStruct((4 * _N_PAD,), jnp.float32),
        jax.ShapeDtypeStruct((_N_PAD,), jnp.float32),
    ],
    scratch_types=[
        pltpu.VMEM((_RPW,), jnp.int32),
        pltpu.VMEM((4 * _RPW,), jnp.int32),
        pltpu.VMEM((4 * _RPW,), jnp.float32),
        pltpu.VMEM((_RPW,), jnp.float32),
        pltpu.SemaphoreType.DMA,
    ],
)(_gather_body)


def _iou_tile_mask(cy1, cx1, cy2, cx2, carea, ry1, rx1, ry2, rx2, rarea):
    tly = jnp.maximum(cy1, ry1)
    tlx = jnp.maximum(cx1, rx1)
    bry = jnp.minimum(cy2, ry2)
    brx = jnp.minimum(cx2, rx2)
    h = jnp.maximum(bry - tly, 0.0)
    w = jnp.maximum(brx - tlx, 0.0)
    inter = h * w
    iou = inter / (carea + rarea - inter + 1e-9)
    return (iou > _IOU_T).astype(jnp.float32)


def _nms_body(bt_ref, s_ref, out_ref, keep_ref):
    keep_ref[...] = (s_ref[...] > _SCORE_T).astype(jnp.float32)

    row_id = jax.lax.broadcasted_iota(jnp.int32, (_BLK, _BLK), 0)
    col_id = jax.lax.broadcasted_iota(jnp.int32, (_BLK, _BLK), 1)
    tri = (col_id < row_id).astype(jnp.float32)
    eyeb = (row_id == col_id).astype(jnp.float32)

    def coord_rows(jb):
        rb = bt_ref[:, pl.ds(jb, _BLK)]
        return rb[0:1, :], rb[1:2, :], rb[2:3, :], rb[3:4, :]

    def t_col(rowvec):
        return jax.lax.dot_general(eyeb, rowvec, (((1,), (1,)), ((), ())),
                                   precision=jax.lax.Precision.HIGHEST,
                                   preferred_element_type=jnp.float32)

    for k in range(_NBLK):
        base = k * _BLK
        by1, bx1, by2, bx2 = coord_rows(base)
        cy1, cx1, cy2, cx2 = t_col(by1), t_col(bx1), t_col(by2), t_col(bx2)
        carea = (cy2 - cy1) * (cx2 - cx1)
        k0 = keep_ref[pl.ds(base, _BLK), :]

        def cross_body(j, acc, cy1=cy1, cx1=cx1, cy2=cy2, cx2=cx2,
                       carea=carea):
            ry1, rx1, ry2, rx2 = coord_rows(j * _BLK)
            rarea = (ry2 - ry1) * (rx2 - rx1)
            m = _iou_tile_mask(cy1, cx1, cy2, cx2, carea,
                               ry1, rx1, ry2, rx2, rarea)
            kprev = keep_ref[pl.ds(j * _BLK, _BLK), :]
            return acc + jax.lax.dot(m, kprev,
                                     preferred_element_type=jnp.float32)

        sup = jax.lax.fori_loop(0, k, cross_body,
                                jnp.zeros((_BLK, 1), jnp.float32))
        k0_eff = jnp.where(sup > 0.5, 0.0, k0)

        rarea = (by2 - by1) * (bx2 - bx1)
        m_self = _iou_tile_mask(cy1, cx1, cy2, cx2, carea,
                                by1, bx1, by2, bx2, rarea) * tri

        def fp_cond(st):
            t, _, changed = st
            return changed & (t < _BLK + 2)

        def fp_body(st, m_self=m_self, k0_eff=k0_eff):
            t, kc, _ = st
            sup2 = jax.lax.dot(m_self, kc, preferred_element_type=jnp.float32)
            kn = jnp.where(sup2 > 0.5, 0.0, k0_eff)
            return (t + 1, kn, jnp.any(kn != kc))

        _, kfin, _ = jax.lax.while_loop(
            fp_cond, fp_body, (0, k0_eff, jnp.bool_(True)))
        keep_ref[pl.ds(base, _BLK), :] = kfin

        bblk = bt_ref[:, pl.ds(base, _BLK)]
        brows = jax.lax.dot_general(eyeb, bblk, (((1,), (1,)), ((), ())),
                                    precision=jax.lax.Precision.HIGHEST,
                                    preferred_element_type=jnp.float32)
        srows = s_ref[pl.ds(base, _BLK), :]
        out_ref[pl.ds(base, _BLK), :] = (
            jnp.concatenate([brows, srows], axis=1) * kfin)


def _run_nms(btp, sp):
    return pl.pallas_call(
        _nms_body,
        out_shape=jax.ShapeDtypeStruct((_N_PAD, 5), jnp.float32),
        scratch_shapes=[pltpu.VMEM((_N_PAD, 1), jnp.float32)],
    )(btp, sp)


def kernel(boxes, scores):
    order = jnp.argsort(-scores)
    orderp = jnp.pad(order, ((0, _N_PAD - _N),))
    btfin = boxes.T.reshape(4 * _N)
    btf, spf = _gather_layout(btfin, scores, orderp)
    out = _run_nms(btf.reshape(4, _N_PAD), spf[:, None])
    return out[:_N]

# --- scband reference (transcript-rebuilt; emitter-appended) ---
"""Pipeline reference for scband-faster-rcnn-4578435137655 (READ-ONLY COPY).

The authoritative reference and input builder live on the scoring server;
editing this copy changes nothing except your own understanding.
"""

import jax, jax.numpy as jnp
import numpy as np

N = 5000
NMS_THRESH = 0.3
SCORE_THRESH = 0.05


def setup_inputs(seed: int = 0) -> dict:
    key = jax.random.key(seed)
    k1, k2 = jax.random.split(key, 2)
    raw = jax.random.uniform(k1, (N, 4), dtype=jnp.float32)
    y1 = raw[:, 0] * 480.0
    x1 = raw[:, 1] * 480.0
    y2 = y1 + raw[:, 2] * 64.0 + 1.0
    x2 = x1 + raw[:, 3] * 64.0 + 1.0
    boxes = jnp.stack([y1, x1, y2, x2], axis=1)
    scores = jax.random.uniform(k2, (N,), dtype=jnp.float32)
    return {"boxes": boxes, "scores": scores}


def _iou_matrix(b):
    # b: [N, 4] as (y1, x1, y2, x2)
    area = (b[:, 2] - b[:, 0]) * (b[:, 3] - b[:, 1])
    tl = jnp.maximum(b[:, None, :2], b[None, :, :2])
    br = jnp.minimum(b[:, None, 2:], b[None, :, 2:])
    wh = jnp.clip(br - tl, 0.0)
    inter = wh[..., 0] * wh[..., 1]
    return inter / (area[:, None] + area[None, :] - inter + 1e-9)


def reference(boxes, scores):
    # Faithful jax translation of FasterRCNN._suppress core: score threshold
    # followed by greedy NMS (iou threshold 0.3), returning suppressed-masked
    # boxes and scores in score-sorted order (dense, jit-friendly).
    n = boxes.shape[0]
    order = jnp.argsort(-scores)
    b = jnp.take(boxes, order, axis=0)
    s = jnp.take(scores, order, axis=0)
    iou = _iou_matrix(b)
    keep0 = s > SCORE_THRESH
    idx = jnp.arange(n)

    def body(i, keep):
        sup = (iou[i] > NMS_THRESH) & (idx > i) & keep[i]
        return keep & (~sup)

    keep = jax.lax.fori_loop(0, n, body, keep0)
    keepf = keep.astype(b.dtype)
    out = jnp.concatenate([b * keepf[:, None], (s * keepf)[:, None]], axis=1)
    return out

if __name__ == "__main__":
    import jax
    _d = setup_inputs()
    print(jax.jit(kernel)(*tuple(_d.values())))

</pallas_src>

<mosaic_0001>
#map = affine_map<(d0, d1) -> (0)>
module attributes {stable_mosaic.version = 14 : i64} {
  func.func @_gather_body(%arg0: i32, %arg1: i32, %arg2: memref<20000xf32, #tpu.memory_space<hbm>>, %arg3: memref<5000xf32, #tpu.memory_space<hbm>>, %arg4: memref<5120xi32, #tpu.memory_space<hbm>>, %arg5: memref<20480xf32, #tpu.memory_space<hbm>>, %arg6: memref<5120xf32, #tpu.memory_space<hbm>>, %arg7: memref<160xi32, #tpu.memory_space<vmem>>, %arg8: memref<640xi32, #tpu.memory_space<vmem>>, %arg9: memref<640xf32, #tpu.memory_space<vmem>>, %arg10: memref<160xf32, #tpu.memory_space<vmem>>, %arg11: memref<!tpu.dma_semaphore, #tpu.memory_space<semaphore_mem>>) attributes {dimension_semantics = [#tpu.dimension_semantics<core_parallel>, #tpu.dimension_semantics<subcore_parallel>], iteration_bounds = array<i64: 2, 16>, scalar_prefetch = 0 : i64, scratch_operands = 5 : i64, tpu.core_type = #tpu.core_type<sc_vector_subcore>, window_params = [{transform_indices = #map}, {transform_indices = #map}, {transform_indices = #map}, {transform_indices = #map}, {transform_indices = #map}]} {
    %mul3A = arith.constant 2 : i32
    %mul3A_0 = arith.muli %arg1, %mul3A : i32
    %add3A = arith.addi %mul3A_0, %arg0 : i32
    %mul3A_1 = arith.constant 160 : i32
    %mul3A_2 = arith.muli %add3A, %mul3A_1 : i32
    "tpu.region"() ({
      %run_scoped3A = tpu.sem_alloc : memref<!tpu.dma_semaphore, #tpu.memory_space<semaphore_mem>>
      %dma_start3A_579 = tpu.memref_slice %arg4[%mul3A_2] : memref<5120xi32, #tpu.memory_space<hbm>> -> memref<160xi32, #tpu.memory_space<hbm>>
      %dma_start3A_580 = tpu.memref_slice %arg4[%mul3A_2] : memref<5120xi32, #tpu.memory_space<hbm>> -> memref<160xi32, #tpu.memory_space<hbm>>
      tpu.enqueue_dma source(%dma_start3A_580 : memref<160xi32, #tpu.memory_space<hbm>>) target(%arg7 : memref<160xi32, #tpu.memory_space<vmem>>) target_semaphore(%run_scoped3A : memref<!tpu.dma_semaphore, #tpu.memory_space<semaphore_mem>>)
      %dma_wait3A_581 = tpu.memref_slice %arg4[%mul3A_2] : memref<5120xi32, #tpu.memory_space<hbm>> -> memref<160xi32, #tpu.memory_space<hbm>>
      %dma_wait3A_582 = tpu.memref_slice %arg4[%mul3A_2] : memref<5120xi32, #tpu.memory_space<hbm>> -> memref<160xi32, #tpu.memory_space<hbm>>
      tpu.wait_dma2 semaphore(%run_scoped3A : memref<!tpu.dma_semaphore, #tpu.memory_space<semaphore_mem>>) src(%dma_wait3A_582 : memref<160xi32, #tpu.memory_space<hbm>>) dst(%arg7 : memref<160xi32, #tpu.memory_space<vmem>>)
      tpu.yield
    }) : () -> ()
    %dma_start3A = arith.constant 0 : i32
    %dma_start3A_3 = tpu.memref_slice %arg10[%dma_start3A] : memref<160xf32, #tpu.memory_space<vmem>> -> memref<80xf32, #tpu.memory_space<vmem>>
    %dma_start3A_4 = arith.constant 0 : i32
    %dma_start3A_5 = tpu.memref_slice %arg7[%dma_start3A_4] : memref<160xi32, #tpu.memory_space<vmem>> -> memref<80xi32, #tpu.memory_space<vmem>>
    %dma_start3A_6 = arith.constant 0 : i32
    %dma_start3A_7 = tpu.memref_slice %arg3[%dma_start3A_6] : memref<5000xf32, #tpu.memory_space<hbm>> -> memref<5000xf32, #tpu.memory_space<hbm>>
    tpu.enqueue_indirect_dma source(%dma_start3A_7 : memref<5000xf32, #tpu.memory_space<hbm>>) target(%dma_start3A_3 : memref<80xf32, #tpu.memory_space<vmem>>) offsets(%dma_start3A_5 : memref<80xi32, #tpu.memory_space<vmem>>) semaphore(%arg11 : memref<!tpu.dma_semaphore, #tpu.memory_space<semaphore_mem>>)
    %dma_start3A_8 = arith.constant 80 : i32
    %dma_start3A_9 = tpu.memref_slice %arg10[%dma_start3A_8] : memref<160xf32, #tpu.memory_space<vmem>> -> memref<80xf32, #tpu.memory_space<vmem>>
    %dma_start3A_10 = arith.constant 80 : i32
    %dma_start3A_11 = tpu.memref_slice %arg7[%dma_start3A_10] : memref<160xi32, #tpu.memory_space<vmem>> -> memref<80xi32, #tpu.memory_space<vmem>>
    %dma_start3A_12 = arith.constant 0 : i32
    %dma_start3A_13 = tpu.memref_slice %arg3[%dma_start3A_12] : memref<5000xf32, #tpu.memory_space<hbm>> -> memref<5000xf32, #tpu.memory_space<hbm>>
    tpu.enqueue_indirect_dma source(%dma_start3A_13 : memref<5000xf32, #tpu.memory_space<hbm>>) target(%dma_start3A_9 : memref<80xf32, #tpu.memory_space<vmem>>) offsets(%dma_start3A_11 : memref<80xi32, #tpu.memory_space<vmem>>) semaphore(%arg11 : memref<!tpu.dma_semaphore, #tpu.memory_space<semaphore_mem>>)
    %get3A = arith.constant 0 : index
    %get3A_14 = tpu.vector_load %arg7[%get3A] {strides = array<i32>} : memref<160xi32, #tpu.memory_space<vmem>>, vector<16xi32>,
    %get3A_15 = vector.shape_cast %get3A_14 : vector<16xi32> to vector<16xi32>
    %add3A_16 = arith.constant 0 : i32
    %add3A_17 = vector.broadcast %add3A_16 : i32 to vector<16xi32>
    %add3A_18 = arith.addi %get3A_15, %add3A_17 : vector<16xi32>
    %swap3A = arith.constant 0 : index
    %swap3A_19 = tpu.vector_load %arg8[%swap3A] {strides = array<i32>} : memref<640xi32, #tpu.memory_space<vmem>>, vector<16xi32>,
    %swap3A_20 = vector.shape_cast %swap3A_19 : vector<16xi32> to vector<16xi32>
    %swap3A_21 = vector.shape_cast %add3A_18 : vector<16xi32> to vector<16xi32>
    tpu.vector_store %arg8[%swap3A], %swap3A_21 {strides = array<i32>} : memref<640xi32, #tpu.memory_space<vmem>>, vector<16xi32>,
    %get3A_22 = arith.constant 16 : index
    %get3A_23 = tpu.vector_load %arg7[%get3A_22] {strides = array<i32>} : memref<160xi32, #tpu.memory_space<vmem>>, vector<16xi32>,
    %get3A_24 = vector.shape_cast %get3A_23 : vector<16xi32> to vector<16xi32>
    %add3A_25 = arith.constant 0 : i32
    %add3A_26 = vector.broadcast %add3A_25 : i32 to vector<16xi32>
    %add3A_27 = arith.addi %get3A_24, %add3A_26 : vector<16xi32>
    %swap3A_28 = arith.constant 16 : index
    %swap3A_29 = tpu.vector_load %arg8[%swap3A_28] {strides = array<i32>} : memref<640xi32, #tpu.memory_space<vmem>>, vector<16xi32>,
    %swap3A_30 = vector.shape_cast %swap3A_29 : vector<16xi32> to vector<16xi32>
    %swap3A_31 = vector.shape_cast %add3A_27 : vector<16xi32> to vector<16xi32>
    tpu.vector_store %arg8[%swap3A_28], %swap3A_31 {strides = array<i32>} : memref<640xi32, #tpu.memory_space<vmem>>, vector<16xi32>,
    %get3A_32 = arith.constant 32 : index
    %get3A_33 = tpu.vector_load %arg7[%get3A_32] {strides = array<i32>} : memref<160xi32, #tpu.memory_space<vmem>>, vector<16xi32>,
    %get3A_34 = vector.shape_cast %get3A_33 : vector<16xi32> to vector<16xi32>
    %add3A_35 = arith.constant 0 : i32
    %add3A_36 = vector.broadcast %add3A_35 : i32 to vector<16xi32>
    %add3A_37 = arith.addi %get3A_34, %add3A_36 : vector<16xi32>
    %swap3A_38 = arith.constant 32 : index
    %swap3A_39 = tpu.vector_load %arg8[%swap3A_38] {strides = array<i32>} : memref<640xi32, #tpu.memory_space<vmem>>, vector<16xi32>,
    %swap3A_40 = vector.shape_cast %swap3A_39 : vector<16xi32> to vector<16xi32>
    %swap3A_41 = vector.shape_cast %add3A_37 : vector<16xi32> to vector<16xi32>
    tpu.vector_store %arg8[%swap3A_38], %swap3A_41 {strides = array<i32>} : memref<640xi32, #tpu.memory_space<vmem>>, vector<16xi32>,
    %get3A_42 = arith.constant 48 : index
    %get3A_43 = tpu.vector_load %arg7[%get3A_42] {strides = array<i32>} : memref<160xi32, #tpu.memory_space<vmem>>, vector<16xi32>,
    %get3A_44 = vector.shape_cast %get3A_43 : vector<16xi32> to vector<16xi32>
    %add3A_45 = arith.constant 0 : i32
    %add3A_46 = vector.broadcast %add3A_45 : i32 to vector<16xi32>
    %add3A_47 = arith.addi %get3A_44, %add3A_46 : vector<16xi32>
    %swap3A_48 = arith.constant 48 : index
    %swap3A_49 = tpu.vector_load %arg8[%swap3A_48] {strides = array<i32>} : memref<640xi32, #tpu.memory_space<vmem>>, vector<16xi32>,
    %swap3A_50 = vector.shape_cast %swap3A_49 : vector<16xi32> to vector<16xi32>
    %swap3A_51 = vector.shape_cast %add3A_47 : vector<16xi32> to vector<16xi32>
    tpu.vector_store %arg8[%swap3A_48], %swap3A_51 {strides = array<i32>} : memref<640xi32, #tpu.memory_space<vmem>>, vector<16xi32>,
    %get3A_52 = arith.constant 64 : index
    %get3A_53 = tpu.vector_load %arg7[%get3A_52] {strides = array<i32>} : memref<160xi32, #tpu.memory_space<vmem>>, vector<16xi32>,
    %get3A_54 = vector.shape_cast %get3A_53 : vector<16xi32> to vector<16xi32>
    %add3A_55 = arith.constant 0 : i32
    %add3A_56 = vector.broadcast %add3A_55 : i32 to vector<16xi32>
    %add3A_57 = arith.addi %get3A_54, %add3A_56 : vector<16xi32>
    %swap3A_58 = arith.constant 64 : index
    %swap3A_59 = tpu.vector_load %arg8[%swap3A_58] {strides = array<i32>} : memref<640xi32, #tpu.memory_space<vmem>>, vector<16xi32>,
    %swap3A_60 = vector.shape_cast %swap3A_59 : vector<16xi32> to vector<16xi32>
    %swap3A_61 = vector.shape_cast %add3A_57 : vector<16xi32> to vector<16xi32>
    tpu.vector_store %arg8[%swap3A_58], %swap3A_61 {strides = array<i32>} : memref<640xi32, #tpu.memory_space<vmem>>, vector<16xi32>,
    %get3A_62 = arith.constant 80 : index
    %get3A_63 = tpu.vector_load %arg7[%get3A_62] {strides = array<i32>} : memref<160xi32, #tpu.memory_space<vmem>>, vector<16xi32>,
    %get3A_64 = vector.shape_cast %get3A_63 : vector<16xi32> to vector<16xi32>
    %add3A_65 = arith.constant 0 : i32
    %add3A_66 = vector.broadcast %add3A_65 : i32 to vector<16xi32>
    %add3A_67 = arith.addi %get3A_64, %add3A_66 : vector<16xi32>
    %swap3A_68 = arith.constant 80 : index
    %swap3A_69 = tpu.vector_load %arg8[%swap3A_68] {strides = array<i32>} : memref<640xi32, #tpu.memory_space<vmem>>, vector<16xi32>,
    %swap3A_70 = vector.shape_cast %swap3A_69 : vector<16xi32> to vector<16xi32>
    %swap3A_71 = vector.shape_cast %add3A_67 : vector<16xi32> to vector<16xi32>
    tpu.vector_store %arg8[%swap3A_68], %swap3A_71 {strides = array<i32>} : memref<640xi32, #tpu.memory_space<vmem>>, vector<16xi32>,
    %get3A_72 = arith.constant 96 : index
    %get3A_73 = tpu.vector_load %arg7[%get3A_72] {strides = array<i32>} : memref<160xi32, #tpu.memory_space<vmem>>, vector<16xi32>,
    %get3A_74 = vector.shape_cast %get3A_73 : vector<16xi32> to vector<16xi32>
    %add3A_75 = arith.constant 0 : i32
    %add3A_76 = vector.broadcast %add3A_75 : i32 to vector<16xi32>
    %add3A_77 = arith.addi %get3A_74, %add3A_76 : vector<16xi32>
    %swap3A_78 = arith.constant 96 : index
    %swap3A_79 = tpu.vector_load %arg8[%swap3A_78] {strides = array<i32>} : memref<640xi32, #tpu.memory_space<vmem>>, vector<16xi32>,
    %swap3A_80 = vector.shape_cast %swap3A_79 : vector<16xi32> to vector<16xi32>
    %swap3A_81 = vector.shape_cast %add3A_77 : vector<16xi32> to vector<16xi32>
    tpu.vector_store %arg8[%swap3A_78], %swap3A_81 {strides = array<i32>} : memref<640xi32, #tpu.memory_space<vmem>>, vector<16xi32>,
    %get3A_82 = arith.constant 112 : index
    %get3A_83 = tpu.vector_load %arg7[%get3A_82] {strides = array<i32>} : memref<160xi32, #tpu.memory_space<vmem>>, vector<16xi32>,
    %get3A_84 = vector.shape_cast %get3A_83 : vector<16xi32> to vector<16xi32>
    %add3A_85 = arith.constant 0 : i32
    %add3A_86 = vector.broadcast %add3A_85 : i32 to vector<16xi32>
    %add3A_87 = arith.addi %get3A_84, %add3A_86 : vector<16xi32>
    %swap3A_88 = arith.constant 112 : index
    %swap3A_89 = tpu.vector_load %arg8[%swap3A_88] {strides = array<i32>} : memref<640xi32, #tpu.memory_space<vmem>>, vector<16xi32>,
    %swap3A_90 = vector.shape_cast %swap3A_89 : vector<16xi32> to vector<16xi32>
    %swap3A_91 = vector.shape_cast %add3A_87 : vector<16xi32> to vector<16xi32>
    tpu.vector_store %arg8[%swap3A_88], %swap3A_91 {strides = array<i32>} : memref<640xi32, #tpu.memory_space<vmem>>, vector<16xi32>,
    %get3A_92 = arith.constant 128 : index
    %get3A_93 = tpu.vector_load %arg7[%get3A_92] {strides = array<i32>} : memref<160xi32, #tpu.memory_space<vmem>>, vector<16xi32>,
    %get3A_94 = vector.shape_cast %get3A_93 : vector<16xi32> to vector<16xi32>
    %add3A_95 = arith.constant 0 : i32
    %add3A_96 = vector.broadcast %add3A_95 : i32 to vector<16xi32>
    %add3A_97 = arith.addi %get3A_94, %add3A_96 : vector<16xi32>
    %swap3A_98 = arith.constant 128 : index
    %swap3A_99 = tpu.vector_load %arg8[%swap3A_98] {strides = array<i32>} : memref<640xi32, #tpu.memory_space<vmem>>, vector<16xi32>,
    %swap3A_100 = vector.shape_cast %swap3A_99 : vector<16xi32> to vector<16xi32>
    %swap3A_101 = vector.shape_cast %add3A_97 : vector<16xi32> to vector<16xi32>
    tpu.vector_store %arg8[%swap3A_98], %swap3A_101 {strides = array<i32>} : memref<640xi32, #tpu.memory_space<vmem>>, vector<16xi32>,
    %get3A_102 = arith.constant 144 : index
    %get3A_103 = tpu.vector_load %arg7[%get3A_102] {strides = array<i32>} : memref<160xi32, #tpu.memory_space<vmem>>, vector<16xi32>,
    %get3A_104 = vector.shape_cast %get3A_103 : vector<16xi32> to vector<16xi32>
    %add3A_105 = arith.constant 0 : i32
    %add3A_106 = vector.broadcast %add3A_105 : i32 to vector<16xi32>
    %add3A_107 = arith.addi %get3A_104, %add3A_106 : vector<16xi32>
    %swap3A_108 = arith.constant 144 : index
    %swap3A_109 = tpu.vector_load %arg8[%swap3A_108] {strides = array<i32>} : memref<640xi32, #tpu.memory_space<vmem>>, vector<16xi32>,
    %swap3A_110 = vector.shape_cast %swap3A_109 : vector<16xi32> to vector<16xi32>
    %swap3A_111 = vector.shape_cast %add3A_107 : vector<16xi32> to vector<16xi32>
    tpu.vector_store %arg8[%swap3A_108], %swap3A_111 {strides = array<i32>} : memref<640xi32, #tpu.memory_space<vmem>>, vector<16xi32>,
    %dma_start3A_112 = arith.constant 0 : i32
    %dma_start3A_113 = tpu.memref_slice %arg9[%dma_start3A_112] : memref<640xf32, #tpu.memory_space<vmem>> -> memref<80xf32, #tpu.memory_space<vmem>>
    %dma_start3A_114 = arith.constant 0 : i32
    %dma_start3A_115 = tpu.memref_slice %arg8[%dma_start3A_114] : memref<640xi32, #tpu.memory_space<vmem>> -> memref<80xi32, #tpu.memory_space<vmem>>
    %dma_start3A_116 = arith.constant 0 : i32
    %dma_start3A_117 = tpu.memref_slice %arg2[%dma_start3A_116] : memref<20000xf32, #tpu.memory_space<hbm>> -> memref<20000xf32, #tpu.memory_space<hbm>>
    tpu.enqueue_indirect_dma source(%dma_start3A_117 : memref<20000xf32, #tpu.memory_space<hbm>>) target(%dma_start3A_113 : memref<80xf32, #tpu.memory_space<vmem>>) offsets(%dma_start3A_115 : memref<80xi32, #tpu.memory_space<vmem>>) semaphore(%arg11 : memref<!tpu.dma_semaphore, #tpu.memory_space<semaphore_mem>>)
    %dma_start3A_118 = arith.constant 80 : i32
    %dma_start3A_119 = tpu.memref_slice %arg9[%dma_start3A_118] : memref<640xf32, #tpu.memory_space<vmem>> -> memref<80xf32, #tpu.memory_space<vmem>>
    %dma_start3A_120 = arith.constant 80 : i32
    %dma_start3A_121 = tpu.memref_slice %arg8[%dma_start3A_120] : memref<640xi32, #tpu.memory_space<vmem>> -> memref<80xi32, #tpu.memory_space<vmem>>
    %dma_start3A_122 = arith.constant 0 : i32
    %dma_start3A_123 = tpu.memref_slice %arg2[%dma_start3A_122] : memref<20000xf32, #tpu.memory_space<hbm>> -> memref<20000xf32, #tpu.memory_space<hbm>>
    tpu.enqueue_indirect_dma source(%dma_start3A_123 : memref<20000xf32, #tpu.memory_space<hbm>>) target(%dma_start3A_119 : memref<80xf32, #tpu.memory_space<vmem>>) offsets(%dma_start3A_121 : memref<80xi32, #tpu.memory_space<vmem>>) semaphore(%arg11 : memref<!tpu.dma_semaphore, #tpu.memory_space<semaphore_mem>>)
    %get3A_124 = arith.constant 0 : index
    %get3A_125 = tpu.vector_load %arg7[%get3A_124] {strides = array<i32>} : memref<160xi32, #tpu.memory_space<vmem>>, vector<16xi32>,
    %get3A_126 = vector.shape_cast %get3A_125 : vector<16xi32> to vector<16xi32>
    %add3A_127 = arith.constant 5000 : i32
    %add3A_128 = vector.broadcast %add3A_127 : i32 to vector<16xi32>
    %add3A_129 = arith.addi %get3A_126, %add3A_128 : vector<16xi32>
    %swap3A_130 = arith.constant 160 : index
    %swap3A_131 = tpu.vector_load %arg8[%swap3A_130] {strides = array<i32>} : memref<640xi32, #tpu.memory_space<vmem>>, vector<16xi32>,
    %swap3A_132 = vector.shape_cast %swap3A_131 : vector<16xi32> to vector<16xi32>
    %swap3A_133 = vector.shape_cast %add3A_129 : vector<16xi32> to vector<16xi32>
    tpu.vector_store %arg8[%swap3A_130], %swap3A_133 {strides = array<i32>} : memref<640xi32, #tpu.memory_space<vmem>>, vector<16xi32>,
    %get3A_134 = arith.constant 16 : index
    %get3A_135 = tpu.vector_load %arg7[%get3A_134] {strides = array<i32>} : memref<160xi32, #tpu.memory_space<vmem>>, vector<16xi32>,
    %get3A_136 = vector.shape_cast %get3A_135 : vector<16xi32> to vector<16xi32>
    %add3A_137 = arith.constant 5000 : i32
    %add3A_138 = vector.broadcast %add3A_137 : i32 to vector<16xi32>
    %add3A_139 = arith.addi %get3A_136, %add3A_138 : vector<16xi32>
    %swap3A_140 = arith.constant 176 : index
    %swap3A_141 = tpu.vector_load %arg8[%swap3A_140] {strides = array<i32>} : memref<640xi32, #tpu.memory_space<vmem>>, vector<16xi32>,
    %swap3A_142 = vector.shape_cast %swap3A_141 : vector<16xi32> to vector<16xi32>
    %swap3A_143 = vector.shape_cast %add3A_139 : vector<16xi32> to vector<16xi32>
    tpu.vector_store %arg8[%swap3A_140], %swap3A_143 {strides = array<i32>} : memref<640xi32, #tpu.memory_space<vmem>>, vector<16xi32>,
    %get3A_144 = arith.constant 32 : index
    %get3A_145 = tpu.vector_load %arg7[%get3A_144] {strides = array<i32>} : memref<160xi32, #tpu.memory_space<vmem>>, vector<16xi32>,
    %get3A_146 = vector.shape_cast %get3A_145 : vector<16xi32> to vector<16xi32>
    %add3A_147 = arith.constant 5000 : i32
    %add3A_148 = vector.broadcast %add3A_147 : i32 to vector<16xi32>
    %add3A_149 = arith.addi %get3A_146, %add3A_148 : vector<16xi32>
    %swap3A_150 = arith.constant 192 : index
    %swap3A_151 = tpu.vector_load %arg8[%swap3A_150] {strides = array<i32>} : memref<640xi32, #tpu.memory_space<vmem>>, vector<16xi32>,
    %swap3A_152 = vector.shape_cast %swap3A_151 : vector<16xi32> to vector<16xi32>
    %swap3A_153 = vector.shape_cast %add3A_149 : vector<16xi32> to vector<16xi32>
    tpu.vector_store %arg8[%swap3A_150], %swap3A_153 {strides = array<i32>} : memref<640xi32, #tpu.memory_space<vmem>>, vector<16xi32>,
    %get3A_154 = arith.constant 48 : index
    %get3A_155 = tpu.vector_load %arg7[%get3A_154] {strides = array<i32>} : memref<160xi32, #tpu.memory_space<vmem>>, vector<16xi32>,
    %get3A_156 = vector.shape_cast %get3A_155 : vector<16xi32> to vector<16xi32>
    %add3A_157 = arith.constant 5000 : i32
    %add3A_158 = vector.broadcast %add3A_157 : i32 to vector<16xi32>
    %add3A_159 = arith.addi %get3A_156, %add3A_158 : vector<16xi32>
    %swap3A_160 = arith.constant 208 : index
    %swap3A_161 = tpu.vector_load %arg8[%swap3A_160] {strides = array<i32>} : memref<640xi32, #tpu.memory_space<vmem>>, vector<16xi32>,
    %swap3A_162 = vector.shape_cast %swap3A_161 : vector<16xi32> to vector<16xi32>
    %swap3A_163 = vector.shape_cast %add3A_159 : vector<16xi32> to vector<16xi32>
    tpu.vector_store %arg8[%swap3A_160], %swap3A_163 {strides = array<i32>} : memref<640xi32, #tpu.memory_space<vmem>>, vector<16xi32>,
    %get3A_164 = arith.constant 64 : index
    %get3A_165 = tpu.vector_load %arg7[%get3A_164] {strides = array<i32>} : memref<160xi32, #tpu.memory_space<vmem>>, vector<16xi32>,
    %get3A_166 = vector.shape_cast %get3A_165 : vector<16xi32> to vector<16xi32>
    %add3A_167 = arith.constant 5000 : i32
    %add3A_168 = vector.broadcast %add3A_167 : i32 to vector<16xi32>
    %add3A_169 = arith.addi %get3A_166, %add3A_168 : vector<16xi32>
    %swap3A_170 = arith.constant 224 : index
    %swap3A_171 = tpu.vector_load %arg8[%swap3A_170] {strides = array<i32>} : memref<640xi32, #tpu.memory_space<vmem>>, vector<16xi32>,
    %swap3A_172 = vector.shape_cast %swap3A_171 : vector<16xi32> to vector<16xi32>
    %swap3A_173 = vector.shape_cast %add3A_169 : vector<16xi32> to vector<16xi32>
    tpu.vector_store %arg8[%swap3A_170], %swap3A_173 {strides = array<i32>} : memref<640xi32, #tpu.memory_space<vmem>>, vector<16xi32>,
    %get3A_174 = arith.constant 80 : index
    %get3A_175 = tpu.vector_load %arg7[%get3A_174] {strides = array<i32>} : memref<160xi32, #tpu.memory_space<vmem>>, vector<16xi32>,
    %get3A_176 = vector.shape_cast %get3A_175 : vector<16xi32> to vector<16xi32>
    %add3A_177 = arith.constant 5000 : i32
    %add3A_178 = vector.broadcast %add3A_177 : i32 to vector<16xi32>
    %add3A_179 = arith.addi %get3A_176, %add3A_178 : vector<16xi32>
    %swap3A_180 = arith.constant 240 : index
    %swap3A_181 = tpu.vector_load %arg8[%swap3A_180] {strides = array<i32>} : memref<640xi32, #tpu.memory_space<vmem>>, vector<16xi32>,
    %swap3A_182 = vector.shape_cast %swap3A_181 : vector<16xi32> to vector<16xi32>
    %swap3A_183 = vector.shape_cast %add3A_179 : vector<16xi32> to vector<16xi32>
    tpu.vector_store %arg8[%swap3A_180], %swap3A_183 {strides = array<i32>} : memref<640xi32, #tpu.memory_space<vmem>>, vector<16xi32>,
    %get3A_184 = arith.constant 96 : index
    %get3A_185 = tpu.vector_load %arg7[%get3A_184] {strides = array<i32>} : memref<160xi32, #tpu.memory_space<vmem>>, vector<16xi32>,
    %get3A_186 = vector.shape_cast %get3A_185 : vector<16xi32> to vector<16xi32>
    %add3A_187 = arith.constant 5000 : i32
    %add3A_188 = vector.broadcast %add3A_187 : i32 to vector<16xi32>
    %add3A_189 = arith.addi %get3A_186, %add3A_188 : vector<16xi32>
    %swap3A_190 = arith.constant 256 : index
    %swap3A_191 = tpu.vector_load %arg8[%swap3A_190] {strides = array<i32>} : memref<640xi32, #tpu.memory_space<vmem>>, vector<16xi32>,
    %swap3A_192 = vector.shape_cast %swap3A_191 : vector<16xi32> to vector<16xi32>
    %swap3A_193 = vector.shape_cast %add3A_189 : vector<16xi32> to vector<16xi32>
    tpu.vector_store %arg8[%swap3A_190], %swap3A_193 {strides = array<i32>} : memref<640xi32, #tpu.memory_space<vmem>>, vector<16xi32>,
    %get3A_194 = arith.constant 112 : index
    %get3A_195 = tpu.vector_load %arg7[%get3A_194] {strides = array<i32>} : memref<160xi32, #tpu.memory_space<vmem>>, vector<16xi32>,
    %get3A_196 = vector.shape_cast %get3A_195 : vector<16xi32> to vector<16xi32>
    %add3A_197 = arith.constant 5000 : i32
    %add3A_198 = vector.broadcast %add3A_197 : i32 to vector<16xi32>
    %add3A_199 = arith.addi %get3A_196, %add3A_198 : vector<16xi32>
    %swap3A_200 = arith.constant 272 : index
    %swap3A_201 = tpu.vector_load %arg8[%swap3A_200] {strides = array<i32>} : memref<640xi32, #tpu.memory_space<vmem>>, vector<16xi32>,
    %swap3A_202 = vector.shape_cast %swap3A_201 : vector<16xi32> to vector<16xi32>
    %swap3A_203 = vector.shape_cast %add3A_199 : vector<16xi32> to vector<16xi32>
    tpu.vector_store %arg8[%swap3A_200], %swap3A_203 {strides = array<i32>} : memref<640xi32, #tpu.memory_space<vmem>>, vector<16xi32>,
    %get3A_204 = arith.constant 128 : index
    %get3A_205 = tpu.vector_load %arg7[%get3A_204] {strides = array<i32>} : memref<160xi32, #tpu.memory_space<vmem>>, vector<16xi32>,
    %get3A_206 = vector.shape_cast %get3A_205 : vector<16xi32> to vector<16xi32>
    %add3A_207 = arith.constant 5000 : i32
    %add3A_208 = vector.broadcast %add3A_207 : i32 to vector<16xi32>
    %add3A_209 = arith.addi %get3A_206, %add3A_208 : vector<16xi32>
    %swap3A_210 = arith.constant 288 : index
    %swap3A_211 = tpu.vector_load %arg8[%swap3A_210] {strides = array<i32>} : memref<640xi32, #tpu.memory_space<vmem>>, vector<16xi32>,
    %swap3A_212 = vector.shape_cast %swap3A_211 : vector<16xi32> to vector<16xi32>
    %swap3A_213 = vector.shape_cast %add3A_209 : vector<16xi32> to vector<16xi32>
    tpu.vector_store %arg8[%swap3A_210], %swap3A_213 {strides = array<i32>} : memref<640xi32, #tpu.memory_space<vmem>>, vector<16xi32>,
    %get3A_214 = arith.constant 144 : index
    %get3A_215 = tpu.vector_load %arg7[%get3A_214] {strides = array<i32>} : memref<160xi32, #tpu.memory_space<vmem>>, vector<16xi32>,
    %get3A_216 = vector.shape_cast %get3A_215 : vector<16xi32> to vector<16xi32>
    %add3A_217 = arith.constant 5000 : i32
    %add3A_218 = vector.broadcast %add3A_217 : i32 to vector<16xi32>
    %add3A_219 = arith.addi %get3A_216, %add3A_218 : vector<16xi32>
    %swap3A_220 = arith.constant 304 : index
    %swap3A_221 = tpu.vector_load %arg8[%swap3A_220] {strides = array<i32>} : memref<640xi32, #tpu.memory_space<vmem>>, vector<16xi32>,
    %swap3A_222 = vector.shape_cast %swap3A_221 : vector<16xi32> to vector<16xi32>
    %swap3A_223 = vector.shape_cast %add3A_219 : vector<16xi32> to vector<16xi32>
    tpu.vector_store %arg8[%swap3A_220], %swap3A_223 {strides = array<i32>} : memref<640xi32, #tpu.memory_space<vmem>>, vector<16xi32>,
    %dma_start3A_224 = arith.constant 160 : i32
    %dma_start3A_225 = tpu.memref_slice %arg9[%dma_start3A_224] : memref<640xf32, #tpu.memory_space<vmem>> -> memref<80xf32, #tpu.memory_space<vmem>>
    %dma_start3A_226 = arith.constant 160 : i32
    %dma_start3A_227 = tpu.memref_slice %arg8[%dma_start3A_226] : memref<640xi32, #tpu.memory_space<vmem>> -> memref<80xi32, #tpu.memory_space<vmem>>
    %dma_start3A_228 = arith.constant 0 : i32
    %dma_start3A_229 = tpu.memref_slice %arg2[%dma_start3A_228] : memref<20000xf32, #tpu.memory_space<hbm>> -> memref<20000xf32, #tpu.memory_space<hbm>>
    tpu.enqueue_indirect_dma source(%dma_start3A_229 : memref<20000xf32, #tpu.memory_space<hbm>>) target(%dma_start3A_225 : memref<80xf32, #tpu.memory_space<vmem>>) offsets(%dma_start3A_227 : memref<80xi32, #tpu.memory_space<vmem>>) semaphore(%arg11 : memref<!tpu.dma_semaphore, #tpu.memory_space<semaphore_mem>>)
    %dma_start3A_230 = arith.constant 240 : i32
    %dma_start3A_231 = tpu.memref_slice %arg9[%dma_start3A_230] : memref<640xf32, #tpu.memory_space<vmem>> -> memref<80xf32, #tpu.memory_space<vmem>>
    %dma_start3A_232 = arith.constant 240 : i32
    %dma_start3A_233 = tpu.memref_slice %arg8[%dma_start3A_232] : memref<640xi32, #tpu.memory_space<vmem>> -> memref<80xi32, #tpu.memory_space<vmem>>
    %dma_start3A_234 = arith.constant 0 : i32
    %dma_start3A_235 = tpu.memref_slice %arg2[%dma_start3A_234] : memref<20000xf32, #tpu.memory_space<hbm>> -> memref<20000xf32, #tpu.memory_space<hbm>>
    tpu.enqueue_indirect_dma source(%dma_start3A_235 : memref<20000xf32, #tpu.memory_space<hbm>>) target(%dma_start3A_231 : memref<80xf32, #tpu.memory_space<vmem>>) offsets(%dma_start3A_233 : memref<80xi32, #tpu.memory_space<vmem>>) semaphore(%arg11 : memref<!tpu.dma_semaphore, #tpu.memory_space<semaphore_mem>>)
    %get3A_236 = arith.constant 0 : index
    %get3A_237 = tpu.vector_load %arg7[%get3A_236] {strides = array<i32>} : memref<160xi32, #tpu.memory_space<vmem>>, vector<16xi32>,
    %get3A_238 = vector.shape_cast %get3A_237 : vector<16xi32> to vector<16xi32>
    %add3A_239 = arith.constant 10000 : i32
    %add3A_240 = vector.broadcast %add3A_239 : i32 to vector<16xi32>
    %add3A_241 = arith.addi %get3A_238, %add3A_240 : vector<16xi32>
    %swap3A_242 = arith.constant 320 : index
    %swap3A_243 = tpu.vector_load %arg8[%swap3A_242] {strides = array<i32>} : memref<640xi32, #tpu.memory_space<vmem>>, vector<16xi32>,
    %swap3A_244 = vector.shape_cast %swap3A_243 : vector<16xi32> to vector<16xi32>
    %swap3A_245 = vector.shape_cast %add3A_241 : vector<16xi32> to vector<16xi32>
    tpu.vector_store %arg8[%swap3A_242], %swap3A_245 {strides = array<i32>} : memref<640xi32, #tpu.memory_space<vmem>>, vector<16xi32>,
    %get3A_246 = arith.constant 16 : index
    %get3A_247 = tpu.vector_load %arg7[%get3A_246] {strides = array<i32>} : memref<160xi32, #tpu.memory_space<vmem>>, vector<16xi32>,
    %get3A_248 = vector.shape_cast %get3A_247 : vector<16xi32> to vector<16xi32>
    %add3A_249 = arith.constant 10000 : i32
    %add3A_250 = vector.broadcast %add3A_249 : i32 to vector<16xi32>
    %add3A_251 = arith.addi %get3A_248, %add3A_250 : vector<16xi32>
    %swap3A_252 = arith.constant 336 : index
    %swap3A_253 = tpu.vector_load %arg8[%swap3A_252] {strides = array<i32>} : memref<640xi32, #tpu.memory_space<vmem>>, vector<16xi32>,
    %swap3A_254 = vector.shape_cast %swap3A_253 : vector<16xi32> to vector<16xi32>
    %swap3A_255 = vector.shape_cast %add3A_251 : vector<16xi32> to vector<16xi32>
    tpu.vector_store %arg8[%swap3A_252], %swap3A_255 {strides = array<i32>} : memref<640xi32, #tpu.memory_space<vmem>>, vector<16xi32>,
    %get3A_256 = arith.constant 32 : index
    %get3A_257 = tpu.vector_load %arg7[%get3A_256] {strides = array<i32>} : memref<160xi32, #tpu.memory_space<vmem>>, vector<16xi32>,
    %get3A_258 = vector.shape_cast %get3A_257 : vector<16xi32> to vector<16xi32>
    %add3A_259 = arith.constant 10000 : i32
    %add3A_260 = vector.broadcast %add3A_259 : i32 to vector<16xi32>
    %add3A_261 = arith.addi %get3A_258, %add3A_260 : vector<16xi32>
    %swap3A_262 = arith.constant 352 : index
    %swap3A_263 = tpu.vector_load %arg8[%swap3A_262] {strides = array<i32>} : memref<640xi32, #tpu.memory_space<vmem>>, vector<16xi32>,
    %swap3A_264 = vector.shape_cast %swap3A_263 : vector<16xi32> to vector<16xi32>
    %swap3A_265 = vector.shape_cast %add3A_261 : vector<16xi32> to vector<16xi32>
    tpu.vector_store %arg8[%swap3A_262], %swap3A_265 {strides = array<i32>} : memref<640xi32, #tpu.memory_space<vmem>>, vector<16xi32>,
    %get3A_266 = arith.constant 48 : index
    %get3A_267 = tpu.vector_load %arg7[%get3A_266] {strides = array<i32>} : memref<160xi32, #tpu.memory_space<vmem>>, vector<16xi32>,
    %get3A_268 = vector.shape_cast %get3A_267 : vector<16xi32> to vector<16xi32>
    %add3A_269 = arith.constant 10000 : i32
    %add3A_270 = vector.broadcast %add3A_269 : i32 to vector<16xi32>
    %add3A_271 = arith.addi %get3A_268, %add3A_270 : vector<16xi32>
    %swap3A_272 = arith.constant 368 : index
    %swap3A_273 = tpu.vector_load %arg8[%swap3A_272] {strides = array<i32>} : memref<640xi32, #tpu.memory_space<vmem>>, vector<16xi32>,
    %swap3A_274 = vector.shape_cast %swap3A_273 : vector<16xi32> to vector<16xi32>
    %swap3A_275 = vector.shape_cast %add3A_271 : vector<16xi32> to vector<16xi32>
    tpu.vector_store %arg8[%swap3A_272], %swap3A_275 {strides = array<i32>} : memref<640xi32, #tpu.memory_space<vmem>>, vector<16xi32>,
    %get3A_276 = arith.constant 64 : index
    %get3A_277 = tpu.vector_load %arg7[%get3A_276] {strides = array<i32>} : memref<160xi32, #tpu.memory_space<vmem>>, vector<16xi32>,
    %get3A_278 = vector.shape_cast %get3A_277 : vector<16xi32> to vector<16xi32>
    %add3A_279 = arith.constant 10000 : i32
    %add3A_280 = vector.broadcast %add3A_279 : i32 to vector<16xi32>
    %add3A_281 = arith.addi %get3A_278, %add3A_280 : vector<16xi32>
    %swap3A_282 = arith.constant 384 : index
    %swap3A_283 = tpu.vector_load %arg8[%swap3A_282] {strides = array<i32>} : memref<640xi32, #tpu.memory_space<vmem>>, vector<16xi32>,
    %swap3A_284 = vector.shape_cast %swap3A_283 : vector<16xi32> to vector<16xi32>
    %swap3A_285 = vector.shape_cast %add3A_281 : vector<16xi32> to vector<16xi32>
    tpu.vector_store %arg8[%swap3A_282], %swap3A_285 {strides = array<i32>} : memref<640xi32, #tpu.memory_space<vmem>>, vector<16xi32>,
    %get3A_286 = arith.constant 80 : index
    %get3A_287 = tpu.vector_load %arg7[%get3A_286] {strides = array<i32>} : memref<160xi32, #tpu.memory_space<vmem>>, vector<16xi32>,
    %get3A_288 = vector.shape_cast %get3A_287 : vector<16xi32> to vector<16xi32>
    %add3A_289 = arith.constant 10000 : i32
    %add3A_290 = vector.broadcast %add3A_289 : i32 to vector<16xi32>
    %add3A_291 = arith.addi %get3A_288, %add3A_290 : vector<16xi32>
    %swap3A_292 = arith.constant 400 : index
    %swap3A_293 = tpu.vector_load %arg8[%swap3A_292] {strides = array<i32>} : memref<640xi32, #tpu.memory_space<vmem>>, vector<16xi32>,
    %swap3A_294 = vector.shape_cast %swap3A_293 : vector<16xi32> to vector<16xi32>
    %swap3A_295 = vector.shape_cast %add3A_291 : vector<16xi32> to vector<16xi32>
    tpu.vector_store %arg8[%swap3A_292], %swap3A_295 {strides = array<i32>} : memref<640xi32, #tpu.memory_space<vmem>>, vector<16xi32>,
    %get3A_296 = arith.constant 96 : index
    %get3A_297 = tpu.vector_load %arg7[%get3A_296] {strides = array<i32>} : memref<160xi32, #tpu.memory_space<vmem>>, vector<16xi32>,
    %get3A_298 = vector.shape_cast %get3A_297 : vector<16xi32> to vector<16xi32>
    %add3A_299 = arith.constant 10000 : i32
    %add3A_300 = vector.broadcast %add3A_299 : i32 to vector<16xi32>
    %add3A_301 = arith.addi %get3A_298, %add3A_300 : vector<16xi32>
    %swap3A_302 = arith.constant 416 : index
    %swap3A_303 = tpu.vector_load %arg8[%swap3A_302] {strides = array<i32>} : memref<640xi32, #tpu.memory_space<vmem>>, vector<16xi32>,
    %swap3A_304 = vector.shape_cast %swap3A_303 : vector<16xi32> to vector<16xi32>
    %swap3A_305 = vector.shape_cast %add3A_301 : vector<16xi32> to vector<16xi32>
    tpu.vector_store %arg8[%swap3A_302], %swap3A_305 {strides = array<i32>} : memref<640xi32, #tpu.memory_space<vmem>>, vector<16xi32>,
    %get3A_306 = arith.constant 112 : index
    %get3A_307 = tpu.vector_load %arg7[%get3A_306] {strides = array<i32>} : memref<160xi32, #tpu.memory_space<vmem>>, vector<16xi32>,
    %get3A_308 = vector.shape_cast %get3A_307 : vector<16xi32> to vector<16xi32>
    %add3A_309 = arith.constant 10000 : i32
    %add3A_310 = vector.broadcast %add3A_309 : i32 to vector<16xi32>
    %add3A_311 = arith.addi %get3A_308, %add3A_310 : vector<16xi32>
    %swap3A_312 = arith.constant 432 : index
    %swap3A_313 = tpu.vector_load %arg8[%swap3A_312] {strides = array<i32>} : memref<640xi32, #tpu.memory_space<vmem>>, vector<16xi32>,
    %swap3A_314 = vector.shape_cast %swap3A_313 : vector<16xi32> to vector<16xi32>
    %swap3A_315 = vector.shape_cast %add3A_311 : vector<16xi32> to vector<16xi32>
    tpu.vector_store %arg8[%swap3A_312], %swap3A_315 {strides = array<i32>} : memref<640xi32, #tpu.memory_space<vmem>>, vector<16xi32>,
    %get3A_316 = arith.constant 128 : index
    %get3A_317 = tpu.vector_load %arg7[%get3A_316] {strides = array<i32>} : memref<160xi32, #tpu.memory_space<vmem>>, vector<16xi32>,
    %get3A_318 = vector.shape_cast %get3A_317 : vector<16xi32> to vector<16xi32>
    %add3A_319 = arith.constant 10000 : i32
    %add3A_320 = vector.broadcast %add3A_319 : i32 to vector<16xi32>
    %add3A_321 = arith.addi %get3A_318, %add3A_320 : vector<16xi32>
    %swap3A_322 = arith.constant 448 : index
    %swap3A_323 = tpu.vector_load %arg8[%swap3A_322] {strides = array<i32>} : memref<640xi32, #tpu.memory_space<vmem>>, vector<16xi32>,
    %swap3A_324 = vector.shape_cast %swap3A_323 : vector<16xi32> to vector<16xi32>
    %swap3A_325 = vector.shape_cast %add3A_321 : vector<16xi32> to vector<16xi32>
    tpu.vector_store %arg8[%swap3A_322], %swap3A_325 {strides = array<i32>} : memref<640xi32, #tpu.memory_space<vmem>>, vector<16xi32>,
    %get3A_326 = arith.constant 144 : index
    %get3A_327 = tpu.vector_load %arg7[%get3A_326] {strides = array<i32>} : memref<160xi32, #tpu.memory_space<vmem>>, vector<16xi32>,
    %get3A_328 = vector.shape_cast %get3A_327 : vector<16xi32> to vector<16xi32>
    %add3A_329 = arith.constant 10000 : i32
    %add3A_330 = vector.broadcast %add3A_329 : i32 to vector<16xi32>
    %add3A_331 = arith.addi %get3A_328, %add3A_330 : vector<16xi32>
    %swap3A_332 = arith.constant 464 : index
    %swap3A_333 = tpu.vector_load %arg8[%swap3A_332] {strides = array<i32>} : memref<640xi32, #tpu.memory_space<vmem>>, vector<16xi32>,
    %swap3A_334 = vector.shape_cast %swap3A_333 : vector<16xi32> to vector<16xi32>
    %swap3A_335 = vector.shape_cast %add3A_331 : vector<16xi32> to vector<16xi32>
    tpu.vector_store %arg8[%swap3A_332], %swap3A_335 {strides = array<i32>} : memref<640xi32, #tpu.memory_space<vmem>>, vector<16xi32>,
    %dma_start3A_336 = arith.constant 320 : i32
    %dma_start3A_337 = tpu.memref_slice %arg9[%dma_start3A_336] : memref<640xf32, #tpu.memory_space<vmem>> -> memref<80xf32, #tpu.memory_space<vmem>>
    %dma_start3A_338 = arith.constant 320 : i32
    %dma_start3A_339 = tpu.memref_slice %arg8[%dma_start3A_338] : memref<640xi32, #tpu.memory_space<vmem>> -> memref<80xi32, #tpu.memory_space<vmem>>
    %dma_start3A_340 = arith.constant 0 : i32
    %dma_start3A_341 = tpu.memref_slice %arg2[%dma_start3A_340] : memref<20000xf32, #tpu.memory_space<hbm>> -> memref<20000xf32, #tpu.memory_space<hbm>>
    tpu.enqueue_indirect_dma source(%dma_start3A_341 : memref<20000xf32, #tpu.memory_space<hbm>>) target(%dma_start3A_337 : memref<80xf32, #tpu.memory_space<vmem>>) offsets(%dma_start3A_339 : memref<80xi32, #tpu.memory_space<vmem>>) semaphore(%arg11 : memref<!tpu.dma_semaphore, #tpu.memory_space<semaphore_mem>>)
    %dma_start3A_342 = arith.constant 400 : i32
    %dma_start3A_343 = tpu.memref_slice %arg9[%dma_start3A_342] : memref<640xf32, #tpu.memory_space<vmem>> -> memref<80xf32, #tpu.memory_space<vmem>>
    %dma_start3A_344 = arith.constant 400 : i32
    %dma_start3A_345 = tpu.memref_slice %arg8[%dma_start3A_344] : memref<640xi32, #tpu.memory_space<vmem>> -> memref<80xi32, #tpu.memory_space<vmem>>
    %dma_start3A_346 = arith.constant 0 : i32
    %dma_start3A_347 = tpu.memref_slice %arg2[%dma_start3A_346] : memref<20000xf32, #tpu.memory_space<hbm>> -> memref<20000xf32, #tpu.memory_space<hbm>>
    tpu.enqueue_indirect_dma source(%dma_start3A_347 : memref<20000xf32, #tpu.memory_space<hbm>>) target(%dma_start3A_343 : memref<80xf32, #tpu.memory_space<vmem>>) offsets(%dma_start3A_345 : memref<80xi32, #tpu.memory_space<vmem>>) semaphore(%arg11 : memref<!tpu.dma_semaphore, #tpu.memory_space<semaphore_mem>>)
    %get3A_348 = arith.constant 0 : index
    %get3A_349 = tpu.vector_load %arg7[%get3A_348] {strides = array<i32>} : memref<160xi32, #tpu.memory_space<vmem>>, vector<16xi32>,
    %get3A_350 = vector.shape_cast %get3A_349 : vector<16xi32> to vector<16xi32>
    %add3A_351 = arith.constant 15000 : i32
    %add3A_352 = vector.broadcast %add3A_351 : i32 to vector<16xi32>
    %add3A_353 = arith.addi %get3A_350, %add3A_352 : vector<16xi32>
    %swap3A_354 = arith.constant 480 : index
    %swap3A_355 = tpu.vector_load %arg8[%swap3A_354] {strides = array<i32>} : memref<640xi32, #tpu.memory_space<vmem>>, vector<16xi32>,
    %swap3A_356 = vector.shape_cast %swap3A_355 : vector<16xi32> to vector<16xi32>
    %swap3A_357 = vector.shape_cast %add3A_353 : vector<16xi32> to vector<16xi32>
    tpu.vector_store %arg8[%swap3A_354], %swap3A_357 {strides = array<i32>} : memref<640xi32, #tpu.memory_space<vmem>>, vector<16xi32>,
    %get3A_358 = arith.constant 16 : index
    %get3A_359 = tpu.vector_load %arg7[%get3A_358] {strides = array<i32>} : memref<160xi32, #tpu.memory_space<vmem>>, vector<16xi32>,
    %get3A_360 = vector.shape_cast %get3A_359 : vector<16xi32> to vector<16xi32>
    %add3A_361 = arith.constant 15000 : i32
    %add3A_362 = vector.broadcast %add3A_361 : i32 to vector<16xi32>
    %add3A_363 = arith.addi %get3A_360, %add3A_362 : vector<16xi32>
    %swap3A_364 = arith.constant 496 : index
    %swap3A_365 = tpu.vector_load %arg8[%swap3A_364] {strides = array<i32>} : memref<640xi32, #tpu.memory_space<vmem>>, vector<16xi32>,
    %swap3A_366 = vector.shape_cast %swap3A_365 : vector<16xi32> to vector<16xi32>
    %swap3A_367 = vector.shape_cast %add3A_363 : vector<16xi32> to vector<16xi32>
    tpu.vector_store %arg8[%swap3A_364], %swap3A_367 {strides = array<i32>} : memref<640xi32, #tpu.memory_space<vmem>>, vector<16xi32>,
    %get3A_368 = arith.constant 32 : index
    %get3A_369 = tpu.vector_load %arg7[%get3A_368] {strides = array<i32>} : memref<160xi32, #tpu.memory_space<vmem>>, vector<16xi32>,
    %get3A_370 = vector.shape_cast %get3A_369 : vector<16xi32> to vector<16xi32>
    %add3A_371 = arith.constant 15000 : i32
    %add3A_372 = vector.broadcast %add3A_371 : i32 to vector<16xi32>
    %add3A_373 = arith.addi %get3A_370, %add3A_372 : vector<16xi32>
    %swap3A_374 = arith.constant 512 : index
    %swap3A_375 = tpu.vector_load %arg8[%swap3A_374] {strides = array<i32>} : memref<640xi32, #tpu.memory_space<vmem>>, vector<16xi32>,
    %swap3A_376 = vector.shape_cast %swap3A_375 : vector<16xi32> to vector<16xi32>
    %swap3A_377 = vector.shape_cast %add3A_373 : vector<16xi32> to vector<16xi32>
    tpu.vector_store %arg8[%swap3A_374], %swap3A_377 {strides = array<i32>} : memref<640xi32, #tpu.memory_space<vmem>>, vector<16xi32>,
    %get3A_378 = arith.constant 48 : index
    %get3A_379 = tpu.vector_load %arg7[%get3A_378] {strides = array<i32>} : memref<160xi32, #tpu.memory_space<vmem>>, vector<16xi32>,
    %get3A_380 = vector.shape_cast %get3A_379 : vector<16xi32> to vector<16xi32>
    %add3A_381 = arith.constant 15000 : i32
    %add3A_382 = vector.broadcast %add3A_381 : i32 to vector<16xi32>
    %add3A_383 = arith.addi %get3A_380, %add3A_382 : vector<16xi32>
    %swap3A_384 = arith.constant 528 : index
    %swap3A_385 = tpu.vector_load %arg8[%swap3A_384] {strides = array<i32>} : memref<640xi32, #tpu.memory_space<vmem>>, vector<16xi32>,
    %swap3A_386 = vector.shape_cast %swap3A_385 : vector<16xi32> to vector<16xi32>
    %swap3A_387 = vector.shape_cast %add3A_383 : vector<16xi32> to vector<16xi32>
    tpu.vector_store %arg8[%swap3A_384], %swap3A_387 {strides = array<i32>} : memref<640xi32, #tpu.memory_space<vmem>>, vector<16xi32>,
    %get3A_388 = arith.constant 64 : index
    %get3A_389 = tpu.vector_load %arg7[%get3A_388] {strides = array<i32>} : memref<160xi32, #tpu.memory_space<vmem>>, vector<16xi32>,
    %get3A_390 = vector.shape_cast %get3A_389 : vector<16xi32> to vector<16xi32>
    %add3A_391 = arith.constant 15000 : i32
    %add3A_392 = vector.broadcast %add3A_391 : i32 to vector<16xi32>
    %add3A_393 = arith.addi %get3A_390, %add3A_392 : vector<16xi32>
    %swap3A_394 = arith.constant 544 : index
    %swap3A_395 = tpu.vector_load %arg8[%swap3A_394] {strides = array<i32>} : memref<640xi32, #tpu.memory_space<vmem>>, vector<16xi32>,
    %swap3A_396 = vector.shape_cast %swap3A_395 : vector<16xi32> to vector<16xi32>
    %swap3A_397 = vector.shape_cast %add3A_393 : vector<16xi32> to vector<16xi32>
    tpu.vector_store %arg8[%swap3A_394], %swap3A_397 {strides = array<i32>} : memref<640xi32, #tpu.memory_space<vmem>>, vector<16xi32>,
    %get3A_398 = arith.constant 80 : index
    %get3A_399 = tpu.vector_load %arg7[%get3A_398] {strides = array<i32>} : memref<160xi32, #tpu.memory_space<vmem>>, vector<16xi32>,
    %get3A_400 = vector.shape_cast %get3A_399 : vector<16xi32> to vector<16xi32>
    %add3A_401 = arith.constant 15000 : i32
    %add3A_402 = vector.broadcast %add3A_401 : i32 to vector<16xi32>
    %add3A_403 = arith.addi %get3A_400, %add3A_402 : vector<16xi32>
    %swap3A_404 = arith.constant 560 : index
    %swap3A_405 = tpu.vector_load %arg8[%swap3A_404] {strides = array<i32>} : memref<640xi32, #tpu.memory_space<vmem>>, vector<16xi32>,
    %swap3A_406 = vector.shape_cast %swap3A_405 : vector<16xi32> to vector<16xi32>
    %swap3A_407 = vector.shape_cast %add3A_403 : vector<16xi32> to vector<16xi32>
    tpu.vector_store %arg8[%swap3A_404], %swap3A_407 {strides = array<i32>} : memref<640xi32, #tpu.memory_space<vmem>>, vector<16xi32>,
    %get3A_408 = arith.constant 96 : index
    %get3A_409 = tpu.vector_load %arg7[%get3A_408] {strides = array<i32>} : memref<160xi32, #tpu.memory_space<vmem>>, vector<16xi32>,
    %get3A_410 = vector.shape_cast %get3A_409 : vector<16xi32> to vector<16xi32>
    %add3A_411 = arith.constant 15000 : i32
    %add3A_412 = vector.broadcast %add3A_411 : i32 to vector<16xi32>
    %add3A_413 = arith.addi %get3A_410, %add3A_412 : vector<16xi32>
    %swap3A_414 = arith.constant 576 : index
    %swap3A_415 = tpu.vector_load %arg8[%swap3A_414] {strides = array<i32>} : memref<640xi32, #tpu.memory_space<vmem>>, vector<16xi32>,
    %swap3A_416 = vector.shape_cast %swap3A_415 : vector<16xi32> to vector<16xi32>
    %swap3A_417 = vector.shape_cast %add3A_413 : vector<16xi32> to vector<16xi32>
    tpu.vector_store %arg8[%swap3A_414], %swap3A_417 {strides = array<i32>} : memref<640xi32, #tpu.memory_space<vmem>>, vector<16xi32>,
    %get3A_418 = arith.constant 112 : index
    %get3A_419 = tpu.vector_load %arg7[%get3A_418] {strides = array<i32>} : memref<160xi32, #tpu.memory_space<vmem>>, vector<16xi32>,
    %get3A_420 = vector.shape_cast %get3A_419 : vector<16xi32> to vector<16xi32>
    %add3A_421 = arith.constant 15000 : i32
    %add3A_422 = vector.broadcast %add3A_421 : i32 to vector<16xi32>
    %add3A_423 = arith.addi %get3A_420, %add3A_422 : vector<16xi32>
    %swap3A_424 = arith.constant 592 : index
    %swap3A_425 = tpu.vector_load %arg8[%swap3A_424] {strides = array<i32>} : memref<640xi32, #tpu.memory_space<vmem>>, vector<16xi32>,
    %swap3A_426 = vector.shape_cast %swap3A_425 : vector<16xi32> to vector<16xi32>
    %swap3A_427 = vector.shape_cast %add3A_423 : vector<16xi32> to vector<16xi32>
    tpu.vector_store %arg8[%swap3A_424], %swap3A_427 {strides = array<i32>} : memref<640xi32, #tpu.memory_space<vmem>>, vector<16xi32>,
    %get3A_428 = arith.constant 128 : index
    %get3A_429 = tpu.vector_load %arg7[%get3A_428] {strides = array<i32>} : memref<160xi32, #tpu.memory_space<vmem>>, vector<16xi32>,
    %get3A_430 = vector.shape_cast %get3A_429 : vector<16xi32> to vector<16xi32>
    %add3A_431 = arith.constant 15000 : i32
    %add3A_432 = vector.broadcast %add3A_431 : i32 to vector<16xi32>
    %add3A_433 = arith.addi %get3A_430, %add3A_432 : vector<16xi32>
    %swap3A_434 = arith.constant 608 : index
    %swap3A_435 = tpu.vector_load %arg8[%swap3A_434] {strides = array<i32>} : memref<640xi32, #tpu.memory_space<vmem>>, vector<16xi32>,
    %swap3A_436 = vector.shape_cast %swap3A_435 : vector<16xi32> to vector<16xi32>
    %swap3A_437 = vector.shape_cast %add3A_433 : vector<16xi32> to vector<16xi32>
    tpu.vector_store %arg8[%swap3A_434], %swap3A_437 {strides = array<i32>} : memref<640xi32, #tpu.memory_space<vmem>>, vector<16xi32>,
    %get3A_438 = arith.constant 144 : index
    %get3A_439 = tpu.vector_load %arg7[%get3A_438] {strides = array<i32>} : memref<160xi32, #tpu.memory_space<vmem>>, vector<16xi32>,
    %get3A_440 = vector.shape_cast %get3A_439 : vector<16xi32> to vector<16xi32>
    %add3A_441 = arith.constant 15000 : i32
    %add3A_442 = vector.broadcast %add3A_441 : i32 to vector<16xi32>
    %add3A_443 = arith.addi %get3A_440, %add3A_442 : vector<16xi32>
    %swap3A_444 = arith.constant 624 : index
    %swap3A_445 = tpu.vector_load %arg8[%swap3A_444] {strides = array<i32>} : memref<640xi32, #tpu.memory_space<vmem>>, vector<16xi32>,
    %swap3A_446 = vector.shape_cast %swap3A_445 : vector<16xi32> to vector<16xi32>
    %swap3A_447 = vector.shape_cast %add3A_443 : vector<16xi32> to vector<16xi32>
    tpu.vector_store %arg8[%swap3A_444], %swap3A_447 {strides = array<i32>} : memref<640xi32, #tpu.memory_space<vmem>>, vector<16xi32>,
    %dma_start3A_448 = arith.constant 480 : i32
    %dma_start3A_449 = tpu.memref_slice %arg9[%dma_start3A_448] : memref<640xf32, #tpu.memory_space<vmem>> -> memref<80xf32, #tpu.memory_space<vmem>>
    %dma_start3A_450 = arith.constant 480 : i32
    %dma_start3A_451 = tpu.memref_slice %arg8[%dma_start3A_450] : memref<640xi32, #tpu.memory_space<vmem>> -> memref<80xi32, #tpu.memory_space<vmem>>
    %dma_start3A_452 = arith.constant 0 : i32
    %dma_start3A_453 = tpu.memref_slice %arg2[%dma_start3A_452] : memref<20000xf32, #tpu.memory_space<hbm>> -> memref<20000xf32, #tpu.memory_space<hbm>>
    tpu.enqueue_indirect_dma source(%dma_start3A_453 : memref<20000xf32, #tpu.memory_space<hbm>>) target(%dma_start3A_449 : memref<80xf32, #tpu.memory_space<vmem>>) offsets(%dma_start3A_451 : memref<80xi32, #tpu.memory_space<vmem>>) semaphore(%arg11 : memref<!tpu.dma_semaphore, #tpu.memory_space<semaphore_mem>>)
    %dma_start3A_454 = arith.constant 560 : i32
    %dma_start3A_455 = tpu.memref_slice %arg9[%dma_start3A_454] : memref<640xf32, #tpu.memory_space<vmem>> -> memref<80xf32, #tpu.memory_space<vmem>>
    %dma_start3A_456 = arith.constant 560 : i32
    %dma_start3A_457 = tpu.memref_slice %arg8[%dma_start3A_456] : memref<640xi32, #tpu.memory_space<vmem>> -> memref<80xi32, #tpu.memory_space<vmem>>
    %dma_start3A_458 = arith.constant 0 : i32
    %dma_start3A_459 = tpu.memref_slice %arg2[%dma_start3A_458] : memref<20000xf32, #tpu.memory_space<hbm>> -> memref<20000xf32, #tpu.memory_space<hbm>>
    tpu.enqueue_indirect_dma source(%dma_start3A_459 : memref<20000xf32, #tpu.memory_space<hbm>>) target(%dma_start3A_455 : memref<80xf32, #tpu.memory_space<vmem>>) offsets(%dma_start3A_457 : memref<80xi32, #tpu.memory_space<vmem>>) semaphore(%arg11 : memref<!tpu.dma_semaphore, #tpu.memory_space<semaphore_mem>>)
    %dma_wait3A = arith.constant 0 : i32
    %dma_wait3A_460 = tpu.memref_slice %arg10[%dma_wait3A] : memref<160xf32, #tpu.memory_space<vmem>> -> memref<80xf32, #tpu.memory_space<vmem>>
    %dma_wait3A_461 = arith.constant 0 : i32
    %dma_wait3A_462 = tpu.memref_slice %arg7[%dma_wait3A_461] : memref<160xi32, #tpu.memory_space<vmem>> -> memref<80xi32, #tpu.memory_space<vmem>>
    %dma_wait3A_463 = arith.constant 0 : i32
    %dma_wait3A_464 = tpu.memref_slice %arg3[%dma_wait3A_463] : memref<5000xf32, #tpu.memory_space<hbm>> -> memref<5000xf32, #tpu.memory_space<hbm>>
    tpu.wait_indirect_dma semaphore(%arg11 : memref<!tpu.dma_semaphore, #tpu.memory_space<semaphore_mem>>) src(%dma_wait3A_464 : memref<5000xf32, #tpu.memory_space<hbm>>) dst(%dma_wait3A_460 : memref<80xf32, #tpu.memory_space<vmem>>)
    %dma_wait3A_465 = arith.constant 80 : i32
    %dma_wait3A_466 = tpu.memref_slice %arg10[%dma_wait3A_465] : memref<160xf32, #tpu.memory_space<vmem>> -> memref<80xf32, #tpu.memory_space<vmem>>
    %dma_wait3A_467 = arith.constant 80 : i32
    %dma_wait3A_468 = tpu.memref_slice %arg7[%dma_wait3A_467] : memref<160xi32, #tpu.memory_space<vmem>> -> memref<80xi32, #tpu.memory_space<vmem>>
    %dma_wait3A_469 = arith.constant 0 : i32
    %dma_wait3A_470 = tpu.memref_slice %arg3[%dma_wait3A_469] : memref<5000xf32, #tpu.memory_space<hbm>> -> memref<5000xf32, #tpu.memory_space<hbm>>
    tpu.wait_indirect_dma semaphore(%arg11 : memref<!tpu.dma_semaphore, #tpu.memory_space<semaphore_mem>>) src(%dma_wait3A_470 : memref<5000xf32, #tpu.memory_space<hbm>>) dst(%dma_wait3A_466 : memref<80xf32, #tpu.memory_space<vmem>>)
    %dma_wait3A_471 = arith.constant 0 : i32
    %dma_wait3A_472 = tpu.memref_slice %arg9[%dma_wait3A_471] : memref<640xf32, #tpu.memory_space<vmem>> -> memref<80xf32, #tpu.memory_space<vmem>>
    %dma_wait3A_473 = arith.constant 0 : i32
    %dma_wait3A_474 = tpu.memref_slice %arg8[%dma_wait3A_473] : memref<640xi32, #tpu.memory_space<vmem>> -> memref<80xi32, #tpu.memory_space<vmem>>
    %dma_wait3A_475 = arith.constant 0 : i32
    %dma_wait3A_476 = tpu.memref_slice %arg2[%dma_wait3A_475] : memref<20000xf32, #tpu.memory_space<hbm>> -> memref<20000xf32, #tpu.memory_space<hbm>>
    tpu.wait_indirect_dma semaphore(%arg11 : memref<!tpu.dma_semaphore, #tpu.memory_space<semaphore_mem>>) src(%dma_wait3A_476 : memref<20000xf32, #tpu.memory_space<hbm>>) dst(%dma_wait3A_472 : memref<80xf32, #tpu.memory_space<vmem>>)
    %dma_wait3A_477 = arith.constant 80 : i32
    %dma_wait3A_478 = tpu.memref_slice %arg9[%dma_wait3A_477] : memref<640xf32, #tpu.memory_space<vmem>> -> memref<80xf32, #tpu.memory_space<vmem>>
    %dma_wait3A_479 = arith.constant 80 : i32
    %dma_wait3A_480 = tpu.memref_slice %arg8[%dma_wait3A_479] : memref<640xi32, #tpu.memory_space<vmem>> -> memref<80xi32, #tpu.memory_space<vmem>>
    %dma_wait3A_481 = arith.constant 0 : i32
    %dma_wait3A_482 = tpu.memref_slice %arg2[%dma_wait3A_481] : memref<20000xf32, #tpu.memory_space<hbm>> -> memref<20000xf32, #tpu.memory_space<hbm>>
    tpu.wait_indirect_dma semaphore(%arg11 : memref<!tpu.dma_semaphore, #tpu.memory_space<semaphore_mem>>) src(%dma_wait3A_482 : memref<20000xf32, #tpu.memory_space<hbm>>) dst(%dma_wait3A_478 : memref<80xf32, #tpu.memory_space<vmem>>)
    %dma_wait3A_483 = arith.constant 160 : i32
    %dma_wait3A_484 = tpu.memref_slice %arg9[%dma_wait3A_483] : memref<640xf32, #tpu.memory_space<vmem>> -> memref<80xf32, #tpu.memory_space<vmem>>
    %dma_wait3A_485 = arith.constant 160 : i32
    %dma_wait3A_486 = tpu.memref_slice %arg8[%dma_wait3A_485] : memref<640xi32, #tpu.memory_space<vmem>> -> memref<80xi32, #tpu.memory_space<vmem>>
    %dma_wait3A_487 = arith.constant 0 : i32
    %dma_wait3A_488 = tpu.memref_slice %arg2[%dma_wait3A_487] : memref<20000xf32, #tpu.memory_space<hbm>> -> memref<20000xf32, #tpu.memory_space<hbm>>
    tpu.wait_indirect_dma semaphore(%arg11 : memref<!tpu.dma_semaphore, #tpu.memory_space<semaphore_mem>>) src(%dma_wait3A_488 : memref<20000xf32, #tpu.memory_space<hbm>>) dst(%dma_wait3A_484 : memref<80xf32, #tpu.memory_space<vmem>>)
    %dma_wait3A_489 = arith.constant 240 : i32
    %dma_wait3A_490 = tpu.memref_slice %arg9[%dma_wait3A_489] : memref<640xf32, #tpu.memory_space<vmem>> -> memref<80xf32, #tpu.memory_space<vmem>>
    %dma_wait3A_491 = arith.constant 240 : i32
    %dma_wait3A_492 = tpu.memref_slice %arg8[%dma_wait3A_491] : memref<640xi32, #tpu.memory_space<vmem>> -> memref<80xi32, #tpu.memory_space<vmem>>
    %dma_wait3A_493 = arith.constant 0 : i32
    %dma_wait3A_494 = tpu.memref_slice %arg2[%dma_wait3A_493] : memref<20000xf32, #tpu.memory_space<hbm>> -> memref<20000xf32, #tpu.memory_space<hbm>>
    tpu.wait_indirect_dma semaphore(%arg11 : memref<!tpu.dma_semaphore, #tpu.memory_space<semaphore_mem>>) src(%dma_wait3A_494 : memref<20000xf32, #tpu.memory_space<hbm>>) dst(%dma_wait3A_490 : memref<80xf32, #tpu.memory_space<vmem>>)
    %dma_wait3A_495 = arith.constant 320 : i32
    %dma_wait3A_496 = tpu.memref_slice %arg9[%dma_wait3A_495] : memref<640xf32, #tpu.memory_space<vmem>> -> memref<80xf32, #tpu.memory_space<vmem>>
    %dma_wait3A_497 = arith.constant 320 : i32
    %dma_wait3A_498 = tpu.memref_slice %arg8[%dma_wait3A_497] : memref<640xi32, #tpu.memory_space<vmem>> -> memref<80xi32, #tpu.memory_space<vmem>>
    %dma_wait3A_499 = arith.constant 0 : i32
    %dma_wait3A_500 = tpu.memref_slice %arg2[%dma_wait3A_499] : memref<20000xf32, #tpu.memory_space<hbm>> -> memref<20000xf32, #tpu.memory_space<hbm>>
    tpu.wait_indirect_dma semaphore(%arg11 : memref<!tpu.dma_semaphore, #tpu.memory_space<semaphore_mem>>) src(%dma_wait3A_500 : memref<20000xf32, #tpu.memory_space<hbm>>) dst(%dma_wait3A_496 : memref<80xf32, #tpu.memory_space<vmem>>)
    %dma_wait3A_501 = arith.constant 400 : i32
    %dma_wait3A_502 = tpu.memref_slice %arg9[%dma_wait3A_501] : memref<640xf32, #tpu.memory_space<vmem>> -> memref<80xf32, #tpu.memory_space<vmem>>
    %dma_wait3A_503 = arith.constant 400 : i32
    %dma_wait3A_504 = tpu.memref_slice %arg8[%dma_wait3A_503] : memref<640xi32, #tpu.memory_space<vmem>> -> memref<80xi32, #tpu.memory_space<vmem>>
    %dma_wait3A_505 = arith.constant 0 : i32
    %dma_wait3A_506 = tpu.memref_slice %arg2[%dma_wait3A_505] : memref<20000xf32, #tpu.memory_space<hbm>> -> memref<20000xf32, #tpu.memory_space<hbm>>
    tpu.wait_indirect_dma semaphore(%arg11 : memref<!tpu.dma_semaphore, #tpu.memory_space<semaphore_mem>>) src(%dma_wait3A_506 : memref<20000xf32, #tpu.memory_space<hbm>>) dst(%dma_wait3A_502 : memref<80xf32, #tpu.memory_space<vmem>>)
    %dma_wait3A_507 = arith.constant 480 : i32
    %dma_wait3A_508 = tpu.memref_slice %arg9[%dma_wait3A_507] : memref<640xf32, #tpu.memory_space<vmem>> -> memref<80xf32, #tpu.memory_space<vmem>>
    %dma_wait3A_509 = arith.constant 480 : i32
    %dma_wait3A_510 = tpu.memref_slice %arg8[%dma_wait3A_509] : memref<640xi32, #tpu.memory_space<vmem>> -> memref<80xi32, #tpu.memory_space<vmem>>
    %dma_wait3A_511 = arith.constant 0 : i32
    %dma_wait3A_512 = tpu.memref_slice %arg2[%dma_wait3A_511] : memref<20000xf32, #tpu.memory_space<hbm>> -> memref<20000xf32, #tpu.memory_space<hbm>>
    tpu.wait_indirect_dma semaphore(%arg11 : memref<!tpu.dma_semaphore, #tpu.memory_space<semaphore_mem>>) src(%dma_wait3A_512 : memref<20000xf32, #tpu.memory_space<hbm>>) dst(%dma_wait3A_508 : memref<80xf32, #tpu.memory_space<vmem>>)
    %dma_wait3A_513 = arith.constant 560 : i32
    %dma_wait3A_514 = tpu.memref_slice %arg9[%dma_wait3A_513] : memref<640xf32, #tpu.memory_space<vmem>> -> memref<80xf32, #tpu.memory_space<vmem>>
    %dma_wait3A_515 = arith.constant 560 : i32
    %dma_wait3A_516 = tpu.memref_slice %arg8[%dma_wait3A_515] : memref<640xi32, #tpu.memory_space<vmem>> -> memref<80xi32, #tpu.memory_space<vmem>>
    %dma_wait3A_517 = arith.constant 0 : i32
    %dma_wait3A_518 = tpu.memref_slice %arg2[%dma_wait3A_517] : memref<20000xf32, #tpu.memory_space<hbm>> -> memref<20000xf32, #tpu.memory_space<hbm>>
    tpu.wait_indirect_dma semaphore(%arg11 : memref<!tpu.dma_semaphore, #tpu.memory_space<semaphore_mem>>) src(%dma_wait3A_518 : memref<20000xf32, #tpu.memory_space<hbm>>) dst(%dma_wait3A_514 : memref<80xf32, #tpu.memory_space<vmem>>)
    %add3A_519 = arith.constant 0 : i32
    %add3A_520 = arith.addi %add3A_519, %mul3A_2 : i32
    %dma_start3A_521 = arith.constant 0 : i32
    %dma_start3A_522 = tpu.memref_slice %arg9[%dma_start3A_521] : memref<640xf32, #tpu.memory_space<vmem>> -> memref<160xf32, #tpu.memory_space<vmem>>
    %dma_start3A_523 = tpu.memref_slice %arg5[%add3A_520] : memref<20480xf32, #tpu.memory_space<hbm>> -> memref<160xf32, #tpu.memory_space<hbm>>
    %dma_start3A_524 = tpu.memref_slice %arg5[%add3A_520] : memref<20480xf32, #tpu.memory_space<hbm>> -> memref<160xf32, #tpu.memory_space<hbm>>
    %dma_start3A_525 = arith.constant 0 : i32
    %dma_start3A_526 = tpu.memref_slice %arg9[%dma_start3A_525] : memref<640xf32, #tpu.memory_space<vmem>> -> memref<160xf32, #tpu.memory_space<vmem>>
    tpu.enqueue_dma source(%dma_start3A_526 : memref<160xf32, #tpu.memory_space<vmem>>) target(%dma_start3A_524 : memref<160xf32, #tpu.memory_space<hbm>>) target_semaphore(%arg11 : memref<!tpu.dma_semaphore, #tpu.memory_space<semaphore_mem>>)
    %add3A_527 = arith.constant 5120 : i32
    %add3A_528 = arith.addi %add3A_527, %mul3A_2 : i32
    %dma_start3A_529 = arith.constant 160 : i32
    %dma_start3A_530 = tpu.memref_slice %arg9[%dma_start3A_529] : memref<640xf32, #tpu.memory_space<vmem>> -> memref<160xf32, #tpu.memory_space<vmem>>
    %dma_start3A_531 = tpu.memref_slice %arg5[%add3A_528] : memref<20480xf32, #tpu.memory_space<hbm>> -> memref<160xf32, #tpu.memory_space<hbm>>
    %dma_start3A_532 = tpu.memref_slice %arg5[%add3A_528] : memref<20480xf32, #tpu.memory_space<hbm>> -> memref<160xf32, #tpu.memory_space<hbm>>
    %dma_start3A_533 = arith.constant 160 : i32
    %dma_start3A_534 = tpu.memref_slice %arg9[%dma_start3A_533] : memref<640xf32, #tpu.memory_space<vmem>> -> memref<160xf32, #tpu.memory_space<vmem>>
    tpu.enqueue_dma source(%dma_start3A_534 : memref<160xf32, #tpu.memory_space<vmem>>) target(%dma_start3A_532 : memref<160xf32, #tpu.memory_space<hbm>>) target_semaphore(%arg11 : memref<!tpu.dma_semaphore, #tpu.memory_space<semaphore_mem>>)
    %add3A_535 = arith.constant 10240 : i32
    %add3A_536 = arith.addi %add3A_535, %mul3A_2 : i32
    %dma_start3A_537 = arith.constant 320 : i32
    %dma_start3A_538 = tpu.memref_slice %arg9[%dma_start3A_537] : memref<640xf32, #tpu.memory_space<vmem>> -> memref<160xf32, #tpu.memory_space<vmem>>
    %dma_start3A_539 = tpu.memref_slice %arg5[%add3A_536] : memref<20480xf32, #tpu.memory_space<hbm>> -> memref<160xf32, #tpu.memory_space<hbm>>
    %dma_start3A_540 = tpu.memref_slice %arg5[%add3A_536] : memref<20480xf32, #tpu.memory_space<hbm>> -> memref<160xf32, #tpu.memory_space<hbm>>
    %dma_start3A_541 = arith.constant 320 : i32
    %dma_start3A_542 = tpu.memref_slice %arg9[%dma_start3A_541] : memref<640xf32, #tpu.memory_space<vmem>> -> memref<160xf32, #tpu.memory_space<vmem>>
    tpu.enqueue_dma source(%dma_start3A_542 : memref<160xf32, #tpu.memory_space<vmem>>) target(%dma_start3A_540 : memref<160xf32, #tpu.memory_space<hbm>>) target_semaphore(%arg11 : memref<!tpu.dma_semaphore, #tpu.memory_space<semaphore_mem>>)
    %add3A_543 = arith.constant 15360 : i32
    %add3A_544 = arith.addi %add3A_543, %mul3A_2 : i32
    %dma_start3A_545 = arith.constant 480 : i32
    %dma_start3A_546 = tpu.memref_slice %arg9[%dma_start3A_545] : memref<640xf32, #tpu.memory_space<vmem>> -> memref<160xf32, #tpu.memory_space<vmem>>
    %dma_start3A_547 = tpu.memref_slice %arg5[%add3A_544] : memref<20480xf32, #tpu.memory_space<hbm>> -> memref<160xf32, #tpu.memory_space<hbm>>
    %dma_start3A_548 = tpu.memref_slice %arg5[%add3A_544] : memref<20480xf32, #tpu.memory_space<hbm>> -> memref<160xf32, #tpu.memory_space<hbm>>
    %dma_start3A_549 = arith.constant 480 : i32
    %dma_start3A_550 = tpu.memref_slice %arg9[%dma_start3A_549] : memref<640xf32, #tpu.memory_space<vmem>> -> memref<160xf32, #tpu.memory_space<vmem>>
    tpu.enqueue_dma source(%dma_start3A_550 : memref<160xf32, #tpu.memory_space<vmem>>) target(%dma_start3A_548 : memref<160xf32, #tpu.memory_space<hbm>>) target_semaphore(%arg11 : memref<!tpu.dma_semaphore, #tpu.memory_space<semaphore_mem>>)
    %dma_start3A_551 = tpu.memref_slice %arg6[%mul3A_2] : memref<5120xf32, #tpu.memory_space<hbm>> -> memref<160xf32, #tpu.memory_space<hbm>>
    %dma_start3A_552 = tpu.memref_slice %arg6[%mul3A_2] : memref<5120xf32, #tpu.memory_space<hbm>> -> memref<160xf32, #tpu.memory_space<hbm>>
    tpu.enqueue_dma source(%arg10 : memref<160xf32, #tpu.memory_space<vmem>>) target(%dma_start3A_552 : memref<160xf32, #tpu.memory_space<hbm>>) target_semaphore(%arg11 : memref<!tpu.dma_semaphore, #tpu.memory_space<semaphore_mem>>)
    %dma_wait3A_553 = arith.constant 0 : i32
    %dma_wait3A_554 = tpu.memref_slice %arg9[%dma_wait3A_553] : memref<640xf32, #tpu.memory_space<vmem>> -> memref<160xf32, #tpu.memory_space<vmem>>
    %dma_wait3A_555 = tpu.memref_slice %arg5[%add3A_520] : memref<20480xf32, #tpu.memory_space<hbm>> -> memref<160xf32, #tpu.memory_space<hbm>>
    %dma_wait3A_556 = tpu.memref_slice %arg5[%add3A_520] : memref<20480xf32, #tpu.memory_space<hbm>> -> memref<160xf32, #tpu.memory_space<hbm>>
    %dma_wait3A_557 = arith.constant 0 : i32
    %dma_wait3A_558 = tpu.memref_slice %arg9[%dma_wait3A_557] : memref<640xf32, #tpu.memory_space<vmem>> -> memref<160xf32, #tpu.memory_space<vmem>>
    tpu.wait_dma2 semaphore(%arg11 : memref<!tpu.dma_semaphore, #tpu.memory_space<semaphore_mem>>) src(%dma_wait3A_558 : memref<160xf32, #tpu.memory_space<vmem>>) dst(%dma_wait3A_556 : memref<160xf32, #tpu.memory_space<hbm>>)
    %dma_wait3A_559 = arith.constant 160 : i32
    %dma_wait3A_560 = tpu.memref_slice %arg9[%dma_wait3A_559] : memref<640xf32, #tpu.memory_space<vmem>> -> memref<160xf32, #tpu.memory_space<vmem>>
    %dma_wait3A_561 = tpu.memref_slice %arg5[%add3A_528] : memref<20480xf32, #tpu.memory_space<hbm>> -> memref<160xf32, #tpu.memory_space<hbm>>
    %dma_wait3A_562 = tpu.memref_slice %arg5[%add3A_528] : memref<20480xf32, #tpu.memory_space<hbm>> -> memref<160xf32, #tpu.memory_space<hbm>>
    %dma_wait3A_563 = arith.constant 160 : i32
    %dma_wait3A_564 = tpu.memref_slice %arg9[%dma_wait3A_563] : memref<640xf32, #tpu.memory_space<vmem>> -> memref<160xf32, #tpu.memory_space<vmem>>
    tpu.wait_dma2 semaphore(%arg11 : memref<!tpu.dma_semaphore, #tpu.memory_space<semaphore_mem>>) src(%dma_wait3A_564 : memref<160xf32, #tpu.memory_space<vmem>>) dst(%dma_wait3A_562 : memref<160xf32, #tpu.memory_space<hbm>>)
    %dma_wait3A_565 = arith.constant 320 : i32
    %dma_wait3A_566 = tpu.memref_slice %arg9[%dma_wait3A_565] : memref<640xf32, #tpu.memory_space<vmem>> -> memref<160xf32, #tpu.memory_space<vmem>>
    %dma_wait3A_567 = tpu.memref_slice %arg5[%add3A_536] : memref<20480xf32, #tpu.memory_space<hbm>> -> memref<160xf32, #tpu.memory_space<hbm>>
    %dma_wait3A_568 = tpu.memref_slice %arg5[%add3A_536] : memref<20480xf32, #tpu.memory_space<hbm>> -> memref<160xf32, #tpu.memory_space<hbm>>
    %dma_wait3A_569 = arith.constant 320 : i32
    %dma_wait3A_570 = tpu.memref_slice %arg9[%dma_wait3A_569] : memref<640xf32, #tpu.memory_space<vmem>> -> memref<160xf32, #tpu.memory_space<vmem>>
    tpu.wait_dma2 semaphore(%arg11 : memref<!tpu.dma_semaphore, #tpu.memory_space<semaphore_mem>>) src(%dma_wait3A_570 : memref<160xf32, #tpu.memory_space<vmem>>) dst(%dma_wait3A_568 : memref<160xf32, #tpu.memory_space<hbm>>)
    %dma_wait3A_571 = arith.constant 480 : i32
    %dma_wait3A_572 = tpu.memref_slice %arg9[%dma_wait3A_571] : memref<640xf32, #tpu.memory_space<vmem>> -> memref<160xf32, #tpu.memory_space<vmem>>
    %dma_wait3A_573 = tpu.memref_slice %arg5[%add3A_544] : memref<20480xf32, #tpu.memory_space<hbm>> -> memref<160xf32, #tpu.memory_space<hbm>>
    %dma_wait3A_574 = tpu.memref_slice %arg5[%add3A_544] : memref<20480xf32, #tpu.memory_space<hbm>> -> memref<160xf32, #tpu.memory_space<hbm>>
    %dma_wait3A_575 = arith.constant 480 : i32
    %dma_wait3A_576 = tpu.memref_slice %arg9[%dma_wait3A_575] : memref<640xf32, #tpu.memory_space<vmem>> -> memref<160xf32, #tpu.memory_space<vmem>>
    tpu.wait_dma2 semaphore(%arg11 : memref<!tpu.dma_semaphore, #tpu.memory_space<semaphore_mem>>) src(%dma_wait3A_576 : memref<160xf32, #tpu.memory_space<vmem>>) dst(%dma_wait3A_574 : memref<160xf32, #tpu.memory_space<hbm>>)
    %dma_wait3A_577 = tpu.memref_slice %arg6[%mul3A_2] : memref<5120xf32, #tpu.memory_space<hbm>> -> memref<160xf32, #tpu.memory_space<hbm>>
    %dma_wait3A_578 = tpu.memref_slice %arg6[%mul3A_2] : memref<5120xf32, #tpu.memory_space<hbm>> -> memref<160xf32, #tpu.memory_space<hbm>>
    tpu.wait_dma2 semaphore(%arg11 : memref<!tpu.dma_semaphore, #tpu.memory_space<semaphore_mem>>) src(%arg10 : memref<160xf32, #tpu.memory_space<vmem>>) dst(%dma_wait3A_578 : memref<160xf32, #tpu.memory_space<hbm>>)
    return
  }
}

module attributes {stable_mosaic.version = 14 : i64} {
  func.func @_nms_body(%arg0: memref<4x5120xf32, #tpu.memory_space<vmem>>, %arg1: memref<5120x1xf32, #tpu.memory_space<vmem>>, %arg2: memref<5120x5xf32, #tpu.memory_space<vmem>>, %arg3: memref<5120x1xf32, #tpu.memory_space<vmem>>) attributes {dimension_semantics = [], scalar_prefetch = 0 : i64, scratch_operands = 1 : i64, tpu.core_type = #tpu.core_type<tc>} {
    %get3A = arith.constant 0 : index
    %get3A_0 = arith.constant 0 : index
    %get3A_1 = vector.load %arg1[%get3A, %get3A_0] : memref<5120x1xf32, #tpu.memory_space<vmem>>, vector<5120x1xf32>
    %gt3A = arith.constant 5.000000e-02 : f32
    %gt3A_2 = vector.broadcast %gt3A : f32 to vector<5120x1xf32>
    %gt3A_3 = arith.cmpf ogt, %get3A_1, %gt3A_2 : vector<5120x1xf32>
    %convert_element_type3A = arith.extui %gt3A_3 : vector<5120x1xi1> to vector<5120x1xi32>
    %convert_element_type3A_4 = arith.sitofp %convert_element_type3A : vector<5120x1xi32> to vector<5120x1xf32>
    %swap3A = arith.constant 0 : index
    %swap3A_5 = arith.constant 0 : index
    %swap3A_6 = vector.load %arg3[%swap3A, %swap3A_5] : memref<5120x1xf32, #tpu.memory_space<vmem>>, vector<5120x1xf32>
    tpu.vector_store %arg3[%swap3A, %swap3A_5], %convert_element_type3A_4 {strides = array<i32>} : memref<5120x1xf32, #tpu.memory_space<vmem>>, vector<5120x1xf32>,
    %iota3A = tpu.iota {dimensions = array<i32: 0>} : vector<1024x1024xi32>
    %iota3A_7 = tpu.iota {dimensions = array<i32: 1>} : vector<1024x1024xi32>
    %lt3A = arith.cmpi slt, %iota3A_7, %iota3A : vector<1024x1024xi32>
    %convert_element_type3A_8 = arith.extui %lt3A : vector<1024x1024xi1> to vector<1024x1024xi32>
    %convert_element_type3A_9 = arith.sitofp %convert_element_type3A_8 : vector<1024x1024xi32> to vector<1024x1024xf32>
    %eq3A = arith.cmpi eq, %iota3A, %iota3A_7 : vector<1024x1024xi32>
    %convert_element_type3A_10 = arith.extui %eq3A : vector<1024x1024xi1> to vector<1024x1024xi32>
    %convert_element_type3A_11 = arith.sitofp %convert_element_type3A_10 : vector<1024x1024xi32> to vector<1024x1024xf32>
    %get3A_12 = arith.constant 0 : index
    %get3A_13 = arith.constant 0 : index
    %get3A_14 = vector.load %arg0[%get3A_12, %get3A_13] : memref<4x5120xf32, #tpu.memory_space<vmem>>, vector<4x1024xf32>
    %slice3A = vector.extract_strided_slice %get3A_14 {offsets = [0, 0], sizes = [1, 1024], strides = [1, 1]} : vector<4x1024xf32> to vector<1x1024xf32>
    %slice3A_15 = vector.extract_strided_slice %get3A_14 {offsets = [1, 0], sizes = [1, 1024], strides = [1, 1]} : vector<4x1024xf32> to vector<1x1024xf32>
    %slice3A_16 = vector.extract_strided_slice %get3A_14 {offsets = [2, 0], sizes = [1, 1024], strides = [1, 1]} : vector<4x1024xf32> to vector<1x1024xf32>
    %slice3A_17 = vector.extract_strided_slice %get3A_14 {offsets = [3, 0], sizes = [1, 1024], strides = [1, 1]} : vector<4x1024xf32> to vector<1x1024xf32>
    %dot_general3A = arith.constant dense<0.000000e+00> : vector<1024x1xf32>
    %dot_general3A_18 = tpu.matmul %convert_element_type3A_11, %slice3A, %dot_general3A {dimension_numbers = #tpu.dot_dimension_numbers<[1], [1], [0], [0], [0, 0, 1, 0], [], []>, precision = #tpu.contract_precision<fp32>, transpose_lhs_hint = false} : vector<1024x1024xf32>, vector<1x1024xf32>, vector<1024x1xf32> -> vector<1024x1xf32>
    %dot_general3A_19 = arith.constant dense<0.000000e+00> : vector<1024x1xf32>
    %dot_general3A_20 = tpu.matmul %convert_element_type3A_11, %slice3A_15, %dot_general3A_19 {dimension_numbers = #tpu.dot_dimension_numbers<[1], [1], [0], [0], [0, 0, 1, 0], [], []>, precision = #tpu.contract_precision<fp32>, transpose_lhs_hint = false} : vector<1024x1024xf32>, vector<1x1024xf32>, vector<1024x1xf32> -> vector<1024x1xf32>
    %dot_general3A_21 = arith.constant dense<0.000000e+00> : vector<1024x1xf32>
    %dot_general3A_22 = tpu.matmul %convert_element_type3A_11, %slice3A_16, %dot_general3A_21 {dimension_numbers = #tpu.dot_dimension_numbers<[1], [1], [0], [0], [0, 0, 1, 0], [], []>, precision = #tpu.contract_precision<fp32>, transpose_lhs_hint = false} : vector<1024x1024xf32>, vector<1x1024xf32>, vector<1024x1xf32> -> vector<1024x1xf32>
    %dot_general3A_23 = arith.constant dense<0.000000e+00> : vector<1024x1xf32>
    %dot_general3A_24 = tpu.matmul %convert_element_type3A_11, %slice3A_17, %dot_general3A_23 {dimension_numbers = #tpu.dot_dimension_numbers<[1], [1], [0], [0], [0, 0, 1, 0], [], []>, precision = #tpu.contract_precision<fp32>, transpose_lhs_hint = false} : vector<1024x1024xf32>, vector<1x1024xf32>, vector<1024x1xf32> -> vector<1024x1xf32>
    %sub3A = arith.subf %dot_general3A_22, %dot_general3A_18 : vector<1024x1xf32>
    %sub3A_25 = arith.subf %dot_general3A_24, %dot_general3A_20 : vector<1024x1xf32>
    %mul3A = arith.mulf %sub3A, %sub3A_25 : vector<1024x1xf32>
    %get3A_26 = arith.constant 0 : index
    %get3A_27 = arith.constant 0 : index
    %get3A_28 = vector.load %arg3[%get3A_26, %get3A_27] : memref<5120x1xf32, #tpu.memory_space<vmem>>, vector<1024x1xf32>
    %broadcast_in_dim3A = arith.constant 0.000000e+00 : f32
    %broadcast_in_dim3A_29 = vector.broadcast %broadcast_in_dim3A : f32 to vector<1024x1xf32>
    %scan3A = arith.constant 0 : i32
    %scan3A_30 = arith.constant 0 : i32
    %scan3A_31 = arith.addi %scan3A, %scan3A_30 : i32
    %scan3A_32 = arith.constant 0 : i32
    %gt3A_33 = arith.constant 5.000000e-01 : f32
    %gt3A_34 = vector.broadcast %gt3A_33 : f32 to vector<1024x1xf32>
    %gt3A_35 = arith.cmpf ogt, %broadcast_in_dim3A_29, %gt3A_34 : vector<1024x1xf32>
    %jit3A = arith.constant 0.000000e+00 : f32
    %broadcast_in_dim3A_36 = vector.broadcast %jit3A : f32 to vector<1024x1xf32>
    %select_n3A = arith.select %gt3A_35, %broadcast_in_dim3A_36, %get3A_28 : vector<1024x1xi1>, vector<1024x1xf32>
    %sub3A_37 = arith.subf %slice3A_16, %slice3A : vector<1x1024xf32>
    %sub3A_38 = arith.subf %slice3A_17, %slice3A_15 : vector<1x1024xf32>
    %mul3A_39 = arith.mulf %sub3A_37, %sub3A_38 : vector<1x1024xf32>
    %max3A = vector.broadcast %dot_general3A_18 : vector<1024x1xf32> to vector<1024x1024xf32>
    %max3A_40 = vector.broadcast %slice3A : vector<1x1024xf32> to vector<1024x1024xf32>
    %max3A_41 = arith.maximumf %max3A, %max3A_40 : vector<1024x1024xf32>
    %max3A_42 = vector.broadcast %dot_general3A_20 : vector<1024x1xf32> to vector<1024x1024xf32>
    %max3A_43 = vector.broadcast %slice3A_15 : vector<1x1024xf32> to vector<1024x1024xf32>
    %max3A_44 = arith.maximumf %max3A_42, %max3A_43 : vector<1024x1024xf32>
    %min3A = vector.broadcast %dot_general3A_22 : vector<1024x1xf32> to vector<1024x1024xf32>
    %min3A_45 = vector.broadcast %slice3A_16 : vector<1x1024xf32> to vector<1024x1024xf32>
    %min3A_46 = arith.minimumf %min3A, %min3A_45 : vector<1024x1024xf32>
    %min3A_47 = vector.broadcast %dot_general3A_24 : vector<1024x1xf32> to vector<1024x1024xf32>
    %min3A_48 = vector.broadcast %slice3A_17 : vector<1x1024xf32> to vector<1024x1024xf32>
    %min3A_49 = arith.minimumf %min3A_47, %min3A_48 : vector<1024x1024xf32>
    %sub3A_50 = arith.subf %min3A_46, %max3A_41 : vector<1024x1024xf32>
    %max3A_51 = arith.constant 0.000000e+00 : f32
    %max3A_52 = vector.broadcast %max3A_51 : f32 to vector<1024x1024xf32>
    %max3A_53 = arith.maximumf %sub3A_50, %max3A_52 : vector<1024x1024xf32>
    %sub3A_54 = arith.subf %min3A_49, %max3A_44 : vector<1024x1024xf32>
    %max3A_55 = arith.constant 0.000000e+00 : f32
    %max3A_56 = vector.broadcast %max3A_55 : f32 to vector<1024x1024xf32>
    %max3A_57 = arith.maximumf %sub3A_54, %max3A_56 : vector<1024x1024xf32>
    %mul3A_58 = arith.mulf %max3A_53, %max3A_57 : vector<1024x1024xf32>
    %add3A = vector.broadcast %mul3A : vector<1024x1xf32> to vector<1024x1024xf32>
    %add3A_59 = vector.broadcast %mul3A_39 : vector<1x1024xf32> to vector<1024x1024xf32>
    %add3A_60 = arith.addf %add3A, %add3A_59 : vector<1024x1024xf32>
    %sub3A_61 = arith.subf %add3A_60, %mul3A_58 : vector<1024x1024xf32>
    %add3A_62 = arith.constant 9.99999971E-10 : f32
    %add3A_63 = vector.broadcast %add3A_62 : f32 to vector<1024x1024xf32>
    %add3A_64 = arith.addf %sub3A_61, %add3A_63 : vector<1024x1024xf32>
    %div3A = arith.divf %mul3A_58, %add3A_64 : vector<1024x1024xf32>
    %gt3A_65 = arith.constant 3.000000e-01 : f32
    %gt3A_66 = vector.broadcast %gt3A_65 : f32 to vector<1024x1024xf32>
    %gt3A_67 = arith.cmpf ogt, %div3A, %gt3A_66 : vector<1024x1024xf32>
    %convert_element_type3A_68 = arith.extui %gt3A_67 : vector<1024x1024xi1> to vector<1024x1024xi32>
    %convert_element_type3A_69 = arith.sitofp %convert_element_type3A_68 : vector<1024x1024xi32> to vector<1024x1024xf32>
    %mul3A_70 = arith.mulf %convert_element_type3A_69, %convert_element_type3A_9 : vector<1024x1024xf32>
    %while3A = arith.constant 0 : i32
    %while3A_71 = arith.constant true
    %while3A_72:3 = scf.while (%while3A_511 = %while3A, %while3A_512 = %select_n3A, %while3A_513 = %while3A_71) : (i32, vector<1024x1xf32>, i1) -> (i32, vector<1024x1xf32>, i1) {
      %lt3A_514 = arith.constant 1026 : i32
      %lt3A_515 = arith.cmpi slt, %while3A_511, %lt3A_514 : i32
      %and3A = arith.andi %while3A_513, %lt3A_515 : i1
      scf.condition(%and3A) %while3A_511, %while3A_512, %while3A_513 : i32, vector<1024x1xf32>, i1
    } do {
    ^bb0(%while3A_511: i32, %while3A_512: vector<1024x1xf32>, %while3A_513: i1):
      %dot_general3A_514 = arith.constant dense<0.000000e+00> : vector<1024x1xf32>
      %dot_general3A_515 = tpu.matmul %mul3A_70, %while3A_512, %dot_general3A_514 {dimension_numbers = #tpu.dot_dimension_numbers<[1], [0], [0], [1], [0, 0, 1, 1], [], []>, transpose_lhs_hint = false} : vector<1024x1024xf32>, vector<1024x1xf32>, vector<1024x1xf32> -> vector<1024x1xf32>
      %gt3A_516 = arith.constant 5.000000e-01 : f32
      %gt3A_517 = vector.broadcast %gt3A_516 : f32 to vector<1024x1xf32>
      %gt3A_518 = arith.cmpf ogt, %dot_general3A_515, %gt3A_517 : vector<1024x1xf32>
      %jit3A_519 = arith.constant 0.000000e+00 : f32
      %broadcast_in_dim3A_520 = vector.broadcast %jit3A_519 : f32 to vector<1024x1xf32>
      %select_n3A_521 = arith.select %gt3A_518, %broadcast_in_dim3A_520, %select_n3A : vector<1024x1xi1>, vector<1024x1xf32>
      %add3A_522 = arith.constant 1 : i32
      %add3A_523 = arith.addi %while3A_511, %add3A_522 : i32
      %ne3A = arith.cmpf one, %select_n3A_521, %while3A_512 : vector<1024x1xf32>
      %reduce_or3A = arith.constant 1.000000e+00 : f32
      %reduce_or3A_524 = arith.constant 0.000000e+00 : f32
      %reduce_or3A_525 = vector.broadcast %reduce_or3A : f32 to vector<1024x1xf32>
      %reduce_or3A_526 = vector.broadcast %reduce_or3A_524 : f32 to vector<1024x1xf32>
      %reduce_or3A_527 = arith.select %ne3A, %reduce_or3A_525, %reduce_or3A_526 : vector<1024x1xi1>, vector<1024x1xf32>
      %reduce_or3A_528 = vector.shape_cast %reduce_or3A_527 : vector<1024x1xf32> to vector<1x1024x1xf32>
      %reduce_or3A_529 = arith.constant dense<0xFF800000> : vector<1xf32>
      %reduce_or3A_530 = vector.multi_reduction <maximumf>, %reduce_or3A_528, %reduce_or3A_529 [1, 2] : vector<1x1024x1xf32> to vector<1xf32>
      %reduce_or3A_531 = vector.shape_cast %reduce_or3A_530 : vector<1xf32> to vector<1x1x1xf32>
      %reduce_or3A_532 = vector.extract %reduce_or3A_531[0, 0, 0] : f32 from vector<1x1x1xf32>
      %reduce_or3A_533 = arith.constant 0.000000e+00 : f32
      %reduce_or3A_534 = arith.cmpf ogt, %reduce_or3A_532, %reduce_or3A_533 : f32
      scf.yield %add3A_523, %select_n3A_521, %reduce_or3A_534 : i32, vector<1024x1xf32>, i1
    }
    %swap3A_73 = arith.constant 0 : index
    %swap3A_74 = arith.constant 0 : index
    %swap3A_75 = vector.load %arg3[%swap3A_73, %swap3A_74] : memref<5120x1xf32, #tpu.memory_space<vmem>>, vector<1024x1xf32>
    tpu.vector_store %arg3[%swap3A_73, %swap3A_74], %while3A_72#1 {strides = array<i32>} : memref<5120x1xf32, #tpu.memory_space<vmem>>, vector<1024x1xf32>,
    %get3A_76 = arith.constant 0 : index
    %get3A_77 = arith.constant 0 : index
    %get3A_78 = vector.load %arg0[%get3A_76, %get3A_77] : memref<4x5120xf32, #tpu.memory_space<vmem>>, vector<4x1024xf32>
    %dot_general3A_79 = arith.constant dense<0.000000e+00> : vector<1024x4xf32>
    %dot_general3A_80 = tpu.matmul %convert_element_type3A_11, %get3A_78, %dot_general3A_79 {dimension_numbers = #tpu.dot_dimension_numbers<[1], [1], [0], [0], [0, 0, 1, 0], [], []>, precision = #tpu.contract_precision<fp32>, transpose_lhs_hint = false} : vector<1024x1024xf32>, vector<4x1024xf32>, vector<1024x4xf32> -> vector<1024x4xf32>
    %get3A_81 = arith.constant 0 : index
    %get3A_82 = arith.constant 0 : index
    %get3A_83 = vector.load %arg1[%get3A_81, %get3A_82] : memref<5120x1xf32, #tpu.memory_space<vmem>>, vector<1024x1xf32>
    %concatenate3A = tpu.concatenate %dot_general3A_80, %get3A_83 in 1 : vector<1024x4xf32>, vector<1024x1xf32> -> vector<1024x5xf32>
    %mul3A_84 = vector.broadcast %while3A_72#1 : vector<1024x1xf32> to vector<1024x5xf32>
    %mul3A_85 = arith.mulf %concatenate3A, %mul3A_84 : vector<1024x5xf32>
    %swap3A_86 = arith.constant 0 : index
    %swap3A_87 = arith.constant 0 : index
    %swap3A_88 = vector.load %arg2[%swap3A_86, %swap3A_87] : memref<5120x5xf32, #tpu.memory_space<vmem>>, vector<1024x5xf32>
    tpu.vector_store %arg2[%swap3A_86, %swap3A_87], %mul3A_85 {strides = array<i32>} : memref<5120x5xf32, #tpu.memory_space<vmem>>, vector<1024x5xf32>,
    %get3A_89 = arith.constant 0 : index
    %get3A_90 = arith.constant 1024 : index
    %get3A_91 = vector.load %arg0[%get3A_89, %get3A_90] : memref<4x5120xf32, #tpu.memory_space<vmem>>, vector<4x1024xf32>
    %slice3A_92 = vector.extract_strided_slice %get3A_91 {offsets = [0, 0], sizes = [1, 1024], strides = [1, 1]} : vector<4x1024xf32> to vector<1x1024xf32>
    %slice3A_93 = vector.extract_strided_slice %get3A_91 {offsets = [1, 0], sizes = [1, 1024], strides = [1, 1]} : vector<4x1024xf32> to vector<1x1024xf32>
    %slice3A_94 = vector.extract_strided_slice %get3A_91 {offsets = [2, 0], sizes = [1, 1024], strides = [1, 1]} : vector<4x1024xf32> to vector<1x1024xf32>
    %slice3A_95 = vector.extract_strided_slice %get3A_91 {offsets = [3, 0], sizes = [1, 1024], strides = [1, 1]} : vector<4x1024xf32> to vector<1x1024xf32>
    %dot_general3A_96 = arith.constant dense<0.000000e+00> : vector<1024x1xf32>
    %dot_general3A_97 = tpu.matmul %convert_element_type3A_11, %slice3A_92, %dot_general3A_96 {dimension_numbers = #tpu.dot_dimension_numbers<[1], [1], [0], [0], [0, 0, 1, 0], [], []>, precision = #tpu.contract_precision<fp32>, transpose_lhs_hint = false} : vector<1024x1024xf32>, vector<1x1024xf32>, vector<1024x1xf32> -> vector<1024x1xf32>
    %dot_general3A_98 = arith.constant dense<0.000000e+00> : vector<1024x1xf32>
    %dot_general3A_99 = tpu.matmul %convert_element_type3A_11, %slice3A_93, %dot_general3A_98 {dimension_numbers = #tpu.dot_dimension_numbers<[1], [1], [0], [0], [0, 0, 1, 0], [], []>, precision = #tpu.contract_precision<fp32>, transpose_lhs_hint = false} : vector<1024x1024xf32>, vector<1x1024xf32>, vector<1024x1xf32> -> vector<1024x1xf32>
    %dot_general3A_100 = arith.constant dense<0.000000e+00> : vector<1024x1xf32>
    %dot_general3A_101 = tpu.matmul %convert_element_type3A_11, %slice3A_94, %dot_general3A_100 {dimension_numbers = #tpu.dot_dimension_numbers<[1], [1], [0], [0], [0, 0, 1, 0], [], []>, precision = #tpu.contract_precision<fp32>, transpose_lhs_hint = false} : vector<1024x1024xf32>, vector<1x1024xf32>, vector<1024x1xf32> -> vector<1024x1xf32>
    %dot_general3A_102 = arith.constant dense<0.000000e+00> : vector<1024x1xf32>
    %dot_general3A_103 = tpu.matmul %convert_element_type3A_11, %slice3A_95, %dot_general3A_102 {dimension_numbers = #tpu.dot_dimension_numbers<[1], [1], [0], [0], [0, 0, 1, 0], [], []>, precision = #tpu.contract_precision<fp32>, transpose_lhs_hint = false} : vector<1024x1024xf32>, vector<1x1024xf32>, vector<1024x1xf32> -> vector<1024x1xf32>
    %sub3A_104 = arith.subf %dot_general3A_101, %dot_general3A_97 : vector<1024x1xf32>
    %sub3A_105 = arith.subf %dot_general3A_103, %dot_general3A_99 : vector<1024x1xf32>
    %mul3A_106 = arith.mulf %sub3A_104, %sub3A_105 : vector<1024x1xf32>
    %get3A_107 = arith.constant 1024 : index
    %get3A_108 = arith.constant 0 : index
    %get3A_109 = vector.load %arg3[%get3A_107, %get3A_108] : memref<5120x1xf32, #tpu.memory_space<vmem>>, vector<1024x1xf32>
    %broadcast_in_dim3A_110 = arith.constant 0.000000e+00 : f32
    %broadcast_in_dim3A_111 = vector.broadcast %broadcast_in_dim3A_110 : f32 to vector<1024x1xf32>
    %scan3A_112 = arith.constant 0 : i32
    %mul3A_113 = arith.constant 1024 : i32
    %mul3A_114 = arith.muli %scan3A_112, %mul3A_113 : i32
    %get3A_115 = arith.constant 0 : index
    %get3A_116 = arith.index_cast %mul3A_114 : i32 to index
    %get3A_117 = vector.load %arg0[%get3A_115, %get3A_116] : memref<4x5120xf32, #tpu.memory_space<vmem>>, vector<4x1024xf32>
    %slice3A_118 = vector.extract_strided_slice %get3A_117 {offsets = [0, 0], sizes = [1, 1024], strides = [1, 1]} : vector<4x1024xf32> to vector<1x1024xf32>
    %slice3A_119 = vector.extract_strided_slice %get3A_117 {offsets = [1, 0], sizes = [1, 1024], strides = [1, 1]} : vector<4x1024xf32> to vector<1x1024xf32>
    %slice3A_120 = vector.extract_strided_slice %get3A_117 {offsets = [2, 0], sizes = [1, 1024], strides = [1, 1]} : vector<4x1024xf32> to vector<1x1024xf32>
    %slice3A_121 = vector.extract_strided_slice %get3A_117 {offsets = [3, 0], sizes = [1, 1024], strides = [1, 1]} : vector<4x1024xf32> to vector<1x1024xf32>
    %sub3A_122 = arith.subf %slice3A_120, %slice3A_118 : vector<1x1024xf32>
    %sub3A_123 = arith.subf %slice3A_121, %slice3A_119 : vector<1x1024xf32>
    %mul3A_124 = arith.mulf %sub3A_122, %sub3A_123 : vector<1x1024xf32>
    %max3A_125 = vector.broadcast %dot_general3A_97 : vector<1024x1xf32> to vector<1024x1024xf32>
    %max3A_126 = vector.broadcast %slice3A_118 : vector<1x1024xf32> to vector<1024x1024xf32>
    %max3A_127 = arith.maximumf %max3A_125, %max3A_126 : vector<1024x1024xf32>
    %max3A_128 = vector.broadcast %dot_general3A_99 : vector<1024x1xf32> to vector<1024x1024xf32>
    %max3A_129 = vector.broadcast %slice3A_119 : vector<1x1024xf32> to vector<1024x1024xf32>
    %max3A_130 = arith.maximumf %max3A_128, %max3A_129 : vector<1024x1024xf32>
    %min3A_131 = vector.broadcast %dot_general3A_101 : vector<1024x1xf32> to vector<1024x1024xf32>
    %min3A_132 = vector.broadcast %slice3A_120 : vector<1x1024xf32> to vector<1024x1024xf32>
    %min3A_133 = arith.minimumf %min3A_131, %min3A_132 : vector<1024x1024xf32>
    %min3A_134 = vector.broadcast %dot_general3A_103 : vector<1024x1xf32> to vector<1024x1024xf32>
    %min3A_135 = vector.broadcast %slice3A_121 : vector<1x1024xf32> to vector<1024x1024xf32>
    %min3A_136 = arith.minimumf %min3A_134, %min3A_135 : vector<1024x1024xf32>
    %sub3A_137 = arith.subf %min3A_133, %max3A_127 : vector<1024x1024xf32>
    %max3A_138 = arith.constant 0.000000e+00 : f32
    %max3A_139 = vector.broadcast %max3A_138 : f32 to vector<1024x1024xf32>
    %max3A_140 = arith.maximumf %sub3A_137, %max3A_139 : vector<1024x1024xf32>
    %sub3A_141 = arith.subf %min3A_136, %max3A_130 : vector<1024x1024xf32>
    %max3A_142 = arith.constant 0.000000e+00 : f32
    %max3A_143 = vector.broadcast %max3A_142 : f32 to vector<1024x1024xf32>
    %max3A_144 = arith.maximumf %sub3A_141, %max3A_143 : vector<1024x1024xf32>
    %mul3A_145 = arith.mulf %max3A_140, %max3A_144 : vector<1024x1024xf32>
    %add3A_146 = vector.broadcast %mul3A_106 : vector<1024x1xf32> to vector<1024x1024xf32>
    %add3A_147 = vector.broadcast %mul3A_124 : vector<1x1024xf32> to vector<1024x1024xf32>
    %add3A_148 = arith.addf %add3A_146, %add3A_147 : vector<1024x1024xf32>
    %sub3A_149 = arith.subf %add3A_148, %mul3A_145 : vector<1024x1024xf32>
    %add3A_150 = arith.constant 9.99999971E-10 : f32
    %add3A_151 = vector.broadcast %add3A_150 : f32 to vector<1024x1024xf32>
    %add3A_152 = arith.addf %sub3A_149, %add3A_151 : vector<1024x1024xf32>
    %div3A_153 = arith.divf %mul3A_145, %add3A_152 : vector<1024x1024xf32>
    %gt3A_154 = arith.constant 3.000000e-01 : f32
    %gt3A_155 = vector.broadcast %gt3A_154 : f32 to vector<1024x1024xf32>
    %gt3A_156 = arith.cmpf ogt, %div3A_153, %gt3A_155 : vector<1024x1024xf32>
    %convert_element_type3A_157 = arith.extui %gt3A_156 : vector<1024x1024xi1> to vector<1024x1024xi32>
    %convert_element_type3A_158 = arith.sitofp %convert_element_type3A_157 : vector<1024x1024xi32> to vector<1024x1024xf32>
    %mul3A_159 = arith.constant 1024 : i32
    %mul3A_160 = arith.muli %scan3A_112, %mul3A_159 : i32
    %get3A_161 = arith.index_cast %mul3A_160 : i32 to index
    %get3A_162 = arith.constant 0 : index
    %get3A_163 = vector.load %arg3[%get3A_161, %get3A_162] : memref<5120x1xf32, #tpu.memory_space<vmem>>, vector<1024x1xf32>
    %dot_general3A_164 = arith.constant dense<0.000000e+00> : vector<1024x1xf32>
    %dot_general3A_165 = tpu.matmul %convert_element_type3A_158, %get3A_163, %dot_general3A_164 {dimension_numbers = #tpu.dot_dimension_numbers<[1], [0], [0], [1], [0, 0, 1, 1], [], []>, transpose_lhs_hint = false} : vector<1024x1024xf32>, vector<1024x1xf32>, vector<1024x1xf32> -> vector<1024x1xf32>
    %add3A_166 = arith.addf %broadcast_in_dim3A_111, %dot_general3A_165 : vector<1024x1xf32>
    %scan3A_167 = arith.constant 1 : i32
    %gt3A_168 = arith.constant 5.000000e-01 : f32
    %gt3A_169 = vector.broadcast %gt3A_168 : f32 to vector<1024x1xf32>
    %gt3A_170 = arith.cmpf ogt, %add3A_166, %gt3A_169 : vector<1024x1xf32>
    %jit3A_171 = arith.constant 0.000000e+00 : f32
    %broadcast_in_dim3A_172 = vector.broadcast %jit3A_171 : f32 to vector<1024x1xf32>
    %select_n3A_173 = arith.select %gt3A_170, %broadcast_in_dim3A_172, %get3A_109 : vector<1024x1xi1>, vector<1024x1xf32>
    %sub3A_174 = arith.subf %slice3A_94, %slice3A_92 : vector<1x1024xf32>
    %sub3A_175 = arith.subf %slice3A_95, %slice3A_93 : vector<1x1024xf32>
    %mul3A_176 = arith.mulf %sub3A_174, %sub3A_175 : vector<1x1024xf32>
    %max3A_177 = vector.broadcast %dot_general3A_97 : vector<1024x1xf32> to vector<1024x1024xf32>
    %max3A_178 = vector.broadcast %slice3A_92 : vector<1x1024xf32> to vector<1024x1024xf32>
    %max3A_179 = arith.maximumf %max3A_177, %max3A_178 : vector<1024x1024xf32>
    %max3A_180 = vector.broadcast %dot_general3A_99 : vector<1024x1xf32> to vector<1024x1024xf32>
    %max3A_181 = vector.broadcast %slice3A_93 : vector<1x1024xf32> to vector<1024x1024xf32>
    %max3A_182 = arith.maximumf %max3A_180, %max3A_181 : vector<1024x1024xf32>
    %min3A_183 = vector.broadcast %dot_general3A_101 : vector<1024x1xf32> to vector<1024x1024xf32>
    %min3A_184 = vector.broadcast %slice3A_94 : vector<1x1024xf32> to vector<1024x1024xf32>
    %min3A_185 = arith.minimumf %min3A_183, %min3A_184 : vector<1024x1024xf32>
    %min3A_186 = vector.broadcast %dot_general3A_103 : vector<1024x1xf32> to vector<1024x1024xf32>
    %min3A_187 = vector.broadcast %slice3A_95 : vector<1x1024xf32> to vector<1024x1024xf32>
    %min3A_188 = arith.minimumf %min3A_186, %min3A_187 : vector<1024x1024xf32>
    %sub3A_189 = arith.subf %min3A_185, %max3A_179 : vector<1024x1024xf32>
    %max3A_190 = arith.constant 0.000000e+00 : f32
    %max3A_191 = vector.broadcast %max3A_190 : f32 to vector<1024x1024xf32>
    %max3A_192 = arith.maximumf %sub3A_189, %max3A_191 : vector<1024x1024xf32>
    %sub3A_193 = arith.subf %min3A_188, %max3A_182 : vector<1024x1024xf32>
    %max3A_194 = arith.constant 0.000000e+00 : f32
    %max3A_195 = vector.broadcast %max3A_194 : f32 to vector<1024x1024xf32>
    %max3A_196 = arith.maximumf %sub3A_193, %max3A_195 : vector<1024x1024xf32>
    %mul3A_197 = arith.mulf %max3A_192, %max3A_196 : vector<1024x1024xf32>
    %add3A_198 = vector.broadcast %mul3A_106 : vector<1024x1xf32> to vector<1024x1024xf32>
    %add3A_199 = vector.broadcast %mul3A_176 : vector<1x1024xf32> to vector<1024x1024xf32>
    %add3A_200 = arith.addf %add3A_198, %add3A_199 : vector<1024x1024xf32>
    %sub3A_201 = arith.subf %add3A_200, %mul3A_197 : vector<1024x1024xf32>
    %add3A_202 = arith.constant 9.99999971E-10 : f32
    %add3A_203 = vector.broadcast %add3A_202 : f32 to vector<1024x1024xf32>
    %add3A_204 = arith.addf %sub3A_201, %add3A_203 : vector<1024x1024xf32>
    %div3A_205 = arith.divf %mul3A_197, %add3A_204 : vector<1024x1024xf32>
    %gt3A_206 = arith.constant 3.000000e-01 : f32
    %gt3A_207 = vector.broadcast %gt3A_206 : f32 to vector<1024x1024xf32>
    %gt3A_208 = arith.cmpf ogt, %div3A_205, %gt3A_207 : vector<1024x1024xf32>
    %convert_element_type3A_209 = arith.extui %gt3A_208 : vector<1024x1024xi1> to vector<1024x1024xi32>
    %convert_element_type3A_210 = arith.sitofp %convert_element_type3A_209 : vector<1024x1024xi32> to vector<1024x1024xf32>
    %mul3A_211 = arith.mulf %convert_element_type3A_210, %convert_element_type3A_9 : vector<1024x1024xf32>
    %while3A_212 = arith.constant 0 : i32
    %while3A_213 = arith.constant true
    %while3A_214:3 = scf.while (%while3A_511 = %while3A_212, %while3A_512 = %select_n3A_173, %while3A_513 = %while3A_213) : (i32, vector<1024x1xf32>, i1) -> (i32, vector<1024x1xf32>, i1) {
      %lt3A_514 = arith.constant 1026 : i32
      %lt3A_515 = arith.cmpi slt, %while3A_511, %lt3A_514 : i32
      %and3A = arith.andi %while3A_513, %lt3A_515 : i1
      scf.condition(%and3A) %while3A_511, %while3A_512, %while3A_513 : i32, vector<1024x1xf32>, i1
    } do {
    ^bb0(%while3A_511: i32, %while3A_512: vector<1024x1xf32>, %while3A_513: i1):
      %dot_general3A_514 = arith.constant dense<0.000000e+00> : vector<1024x1xf32>
      %dot_general3A_515 = tpu.matmul %mul3A_211, %while3A_512, %dot_general3A_514 {dimension_numbers = #tpu.dot_dimension_numbers<[1], [0], [0], [1], [0, 0, 1, 1], [], []>, transpose_lhs_hint = false} : vector<1024x1024xf32>, vector<1024x1xf32>, vector<1024x1xf32> -> vector<1024x1xf32>
      %gt3A_516 = arith.constant 5.000000e-01 : f32
      %gt3A_517 = vector.broadcast %gt3A_516 : f32 to vector<1024x1xf32>
      %gt3A_518 = arith.cmpf ogt, %dot_general3A_515, %gt3A_517 : vector<1024x1xf32>
      %jit3A_519 = arith.constant 0.000000e+00 : f32
      %broadcast_in_dim3A_520 = vector.broadcast %jit3A_519 : f32 to vector<1024x1xf32>
      %select_n3A_521 = arith.select %gt3A_518, %broadcast_in_dim3A_520, %select_n3A_173 : vector<1024x1xi1>, vector<1024x1xf32>
      %add3A_522 = arith.constant 1 : i32
      %add3A_523 = arith.addi %while3A_511, %add3A_522 : i32
      %ne3A = arith.cmpf one, %select_n3A_521, %while3A_512 : vector<1024x1xf32>
      %reduce_or3A = arith.constant 1.000000e+00 : f32
      %reduce_or3A_524 = arith.constant 0.000000e+00 : f32
      %reduce_or3A_525 = vector.broadcast %reduce_or3A : f32 to vector<1024x1xf32>
      %reduce_or3A_526 = vector.broadcast %reduce_or3A_524 : f32 to vector<1024x1xf32>
      %reduce_or3A_527 = arith.select %ne3A, %reduce_or3A_525, %reduce_or3A_526 : vector<1024x1xi1>, vector<1024x1xf32>
      %reduce_or3A_528 = vector.shape_cast %reduce_or3A_527 : vector<1024x1xf32> to vector<1x1024x1xf32>
      %reduce_or3A_529 = arith.constant dense<0xFF800000> : vector<1xf32>
      %reduce_or3A_530 = vector.multi_reduction <maximumf>, %reduce_or3A_528, %reduce_or3A_529 [1, 2] : vector<1x1024x1xf32> to vector<1xf32>
      %reduce_or3A_531 = vector.shape_cast %reduce_or3A_530 : vector<1xf32> to vector<1x1x1xf32>
      %reduce_or3A_532 = vector.extract %reduce_or3A_531[0, 0, 0] : f32 from vector<1x1x1xf32>
      %reduce_or3A_533 = arith.constant 0.000000e+00 : f32
      %reduce_or3A_534 = arith.cmpf ogt, %reduce_or3A_532, %reduce_or3A_533 : f32
      scf.yield %add3A_523, %select_n3A_521, %reduce_or3A_534 : i32, vector<1024x1xf32>, i1
    }
    %swap3A_215 = arith.constant 1024 : index
    %swap3A_216 = arith.constant 0 : index
    %swap3A_217 = vector.load %arg3[%swap3A_215, %swap3A_216] : memref<5120x1xf32, #tpu.memory_space<vmem>>, vector<1024x1xf32>
    tpu.vector_store %arg3[%swap3A_215, %swap3A_216], %while3A_214#1 {strides = array<i32>} : memref<5120x1xf32, #tpu.memory_space<vmem>>, vector<1024x1xf32>,
    %get3A_218 = arith.constant 0 : index
    %get3A_219 = arith.constant 1024 : index
    %get3A_220 = vector.load %arg0[%get3A_218, %get3A_219] : memref<4x5120xf32, #tpu.memory_space<vmem>>, vector<4x1024xf32>
    %dot_general3A_221 = arith.constant dense<0.000000e+00> : vector<1024x4xf32>
    %dot_general3A_222 = tpu.matmul %convert_element_type3A_11, %get3A_220, %dot_general3A_221 {dimension_numbers = #tpu.dot_dimension_numbers<[1], [1], [0], [0], [0, 0, 1, 0], [], []>, precision = #tpu.contract_precision<fp32>, transpose_lhs_hint = false} : vector<1024x1024xf32>, vector<4x1024xf32>, vector<1024x4xf32> -> vector<1024x4xf32>
    %get3A_223 = arith.constant 1024 : index
    %get3A_224 = arith.constant 0 : index
    %get3A_225 = vector.load %arg1[%get3A_223, %get3A_224] : memref<5120x1xf32, #tpu.memory_space<vmem>>, vector<1024x1xf32>
    %concatenate3A_226 = tpu.concatenate %dot_general3A_222, %get3A_225 in 1 : vector<1024x4xf32>, vector<1024x1xf32> -> vector<1024x5xf32>
    %mul3A_227 = vector.broadcast %while3A_214#1 : vector<1024x1xf32> to vector<1024x5xf32>
    %mul3A_228 = arith.mulf %concatenate3A_226, %mul3A_227 : vector<1024x5xf32>
    %swap3A_229 = arith.constant 1024 : index
    %swap3A_230 = arith.constant 0 : index
    %swap3A_231 = vector.load %arg2[%swap3A_229, %swap3A_230] : memref<5120x5xf32, #tpu.memory_space<vmem>>, vector<1024x5xf32>
    tpu.vector_store %arg2[%swap3A_229, %swap3A_230], %mul3A_228 {strides = array<i32>} : memref<5120x5xf32, #tpu.memory_space<vmem>>, vector<1024x5xf32>,
    %get3A_232 = arith.constant 0 : index
    %get3A_233 = arith.constant 2048 : index
    %get3A_234 = vector.load %arg0[%get3A_232, %get3A_233] : memref<4x5120xf32, #tpu.memory_space<vmem>>, vector<4x1024xf32>
    %slice3A_235 = vector.extract_strided_slice %get3A_234 {offsets = [0, 0], sizes = [1, 1024], strides = [1, 1]} : vector<4x1024xf32> to vector<1x1024xf32>
    %slice3A_236 = vector.extract_strided_slice %get3A_234 {offsets = [1, 0], sizes = [1, 1024], strides = [1, 1]} : vector<4x1024xf32> to vector<1x1024xf32>
    %slice3A_237 = vector.extract_strided_slice %get3A_234 {offsets = [2, 0], sizes = [1, 1024], strides = [1, 1]} : vector<4x1024xf32> to vector<1x1024xf32>
    %slice3A_238 = vector.extract_strided_slice %get3A_234 {offsets = [3, 0], sizes = [1, 1024], strides = [1, 1]} : vector<4x1024xf32> to vector<1x1024xf32>
    %dot_general3A_239 = arith.constant dense<0.000000e+00> : vector<1024x1xf32>
    %dot_general3A_240 = tpu.matmul %convert_element_type3A_11, %slice3A_235, %dot_general3A_239 {dimension_numbers = #tpu.dot_dimension_numbers<[1], [1], [0], [0], [0, 0, 1, 0], [], []>, precision = #tpu.contract_precision<fp32>, transpose_lhs_hint = false} : vector<1024x1024xf32>, vector<1x1024xf32>, vector<1024x1xf32> -> vector<1024x1xf32>
    %dot_general3A_241 = arith.constant dense<0.000000e+00> : vector<1024x1xf32>
    %dot_general3A_242 = tpu.matmul %convert_element_type3A_11, %slice3A_236, %dot_general3A_241 {dimension_numbers = #tpu.dot_dimension_numbers<[1], [1], [0], [0], [0, 0, 1, 0], [], []>, precision = #tpu.contract_precision<fp32>, transpose_lhs_hint = false} : vector<1024x1024xf32>, vector<1x1024xf32>, vector<1024x1xf32> -> vector<1024x1xf32>
    %dot_general3A_243 = arith.constant dense<0.000000e+00> : vector<1024x1xf32>
    %dot_general3A_244 = tpu.matmul %convert_element_type3A_11, %slice3A_237, %dot_general3A_243 {dimension_numbers = #tpu.dot_dimension_numbers<[1], [1], [0], [0], [0, 0, 1, 0], [], []>, precision = #tpu.contract_precision<fp32>, transpose_lhs_hint = false} : vector<1024x1024xf32>, vector<1x1024xf32>, vector<1024x1xf32> -> vector<1024x1xf32>
    %dot_general3A_245 = arith.constant dense<0.000000e+00> : vector<1024x1xf32>
    %dot_general3A_246 = tpu.matmul %convert_element_type3A_11, %slice3A_238, %dot_general3A_245 {dimension_numbers = #tpu.dot_dimension_numbers<[1], [1], [0], [0], [0, 0, 1, 0], [], []>, precision = #tpu.contract_precision<fp32>, transpose_lhs_hint = false} : vector<1024x1024xf32>, vector<1x1024xf32>, vector<1024x1xf32> -> vector<1024x1xf32>
    %sub3A_247 = arith.subf %dot_general3A_244, %dot_general3A_240 : vector<1024x1xf32>
    %sub3A_248 = arith.subf %dot_general3A_246, %dot_general3A_242 : vector<1024x1xf32>
    %mul3A_249 = arith.mulf %sub3A_247, %sub3A_248 : vector<1024x1xf32>
    %get3A_250 = arith.constant 2048 : index
    %get3A_251 = arith.constant 0 : index
    %get3A_252 = vector.load %arg3[%get3A_250, %get3A_251] : memref<5120x1xf32, #tpu.memory_space<vmem>>, vector<1024x1xf32>
    %broadcast_in_dim3A_253 = arith.constant 0.000000e+00 : f32
    %broadcast_in_dim3A_254 = vector.broadcast %broadcast_in_dim3A_253 : f32 to vector<1024x1xf32>
    %scan3A_255 = arith.constant 0 : i32
    %scan3A_256 = arith.constant 2 : i32
    %scan3A_257 = arith.addi %scan3A_255, %scan3A_256 : i32
    %scan3A_258 = arith.constant 1 : i32
    %scan3A_259 = scf.for %scan3A_511 = %scan3A_255 to %scan3A_257 step %scan3A_258 iter_args(%scan3A_512 = %broadcast_in_dim3A_254) -> (vector<1024x1xf32>)  : i32 {
      %mul3A_513 = arith.constant 1024 : i32
      %mul3A_514 = arith.muli %scan3A_511, %mul3A_513 : i32
      %get3A_515 = arith.constant 0 : index
      %get3A_516 = arith.index_cast %mul3A_514 : i32 to index
      %get3A_517 = vector.load %arg0[%get3A_515, %get3A_516] : memref<4x5120xf32, #tpu.memory_space<vmem>>, vector<4x1024xf32>
      %slice3A_518 = vector.extract_strided_slice %get3A_517 {offsets = [0, 0], sizes = [1, 1024], strides = [1, 1]} : vector<4x1024xf32> to vector<1x1024xf32>
      %slice3A_519 = vector.extract_strided_slice %get3A_517 {offsets = [1, 0], sizes = [1, 1024], strides = [1, 1]} : vector<4x1024xf32> to vector<1x1024xf32>
      %slice3A_520 = vector.extract_strided_slice %get3A_517 {offsets = [2, 0], sizes = [1, 1024], strides = [1, 1]} : vector<4x1024xf32> to vector<1x1024xf32>
      %slice3A_521 = vector.extract_strided_slice %get3A_517 {offsets = [3, 0], sizes = [1, 1024], strides = [1, 1]} : vector<4x1024xf32> to vector<1x1024xf32>
      %sub3A_522 = arith.subf %slice3A_520, %slice3A_518 : vector<1x1024xf32>
      %sub3A_523 = arith.subf %slice3A_521, %slice3A_519 : vector<1x1024xf32>
      %mul3A_524 = arith.mulf %sub3A_522, %sub3A_523 : vector<1x1024xf32>
      %max3A_525 = vector.broadcast %dot_general3A_240 : vector<1024x1xf32> to vector<1024x1024xf32>
      %max3A_526 = vector.broadcast %slice3A_518 : vector<1x1024xf32> to vector<1024x1024xf32>
      %max3A_527 = arith.maximumf %max3A_525, %max3A_526 : vector<1024x1024xf32>
      %max3A_528 = vector.broadcast %dot_general3A_242 : vector<1024x1xf32> to vector<1024x1024xf32>
      %max3A_529 = vector.broadcast %slice3A_519 : vector<1x1024xf32> to vector<1024x1024xf32>
      %max3A_530 = arith.maximumf %max3A_528, %max3A_529 : vector<1024x1024xf32>
      %min3A_531 = vector.broadcast %dot_general3A_244 : vector<1024x1xf32> to vector<1024x1024xf32>
      %min3A_532 = vector.broadcast %slice3A_520 : vector<1x1024xf32> to vector<1024x1024xf32>
      %min3A_533 = arith.minimumf %min3A_531, %min3A_532 : vector<1024x1024xf32>
      %min3A_534 = vector.broadcast %dot_general3A_246 : vector<1024x1xf32> to vector<1024x1024xf32>
      %min3A_535 = vector.broadcast %slice3A_521 : vector<1x1024xf32> to vector<1024x1024xf32>
      %min3A_536 = arith.minimumf %min3A_534, %min3A_535 : vector<1024x1024xf32>
      %sub3A_537 = arith.subf %min3A_533, %max3A_527 : vector<1024x1024xf32>
      %max3A_538 = arith.constant 0.000000e+00 : f32
      %max3A_539 = vector.broadcast %max3A_538 : f32 to vector<1024x1024xf32>
      %max3A_540 = arith.maximumf %sub3A_537, %max3A_539 : vector<1024x1024xf32>
      %sub3A_541 = arith.subf %min3A_536, %max3A_530 : vector<1024x1024xf32>
      %max3A_542 = arith.constant 0.000000e+00 : f32
      %max3A_543 = vector.broadcast %max3A_542 : f32 to vector<1024x1024xf32>
      %max3A_544 = arith.maximumf %sub3A_541, %max3A_543 : vector<1024x1024xf32>
      %mul3A_545 = arith.mulf %max3A_540, %max3A_544 : vector<1024x1024xf32>
      %add3A_546 = vector.broadcast %mul3A_249 : vector<1024x1xf32> to vector<1024x1024xf32>
      %add3A_547 = vector.broadcast %mul3A_524 : vector<1x1024xf32> to vector<1024x1024xf32>
      %add3A_548 = arith.addf %add3A_546, %add3A_547 : vector<1024x1024xf32>
      %sub3A_549 = arith.subf %add3A_548, %mul3A_545 : vector<1024x1024xf32>
      %add3A_550 = arith.constant 9.99999971E-10 : f32
      %add3A_551 = vector.broadcast %add3A_550 : f32 to vector<1024x1024xf32>
      %add3A_552 = arith.addf %sub3A_549, %add3A_551 : vector<1024x1024xf32>
      %div3A_553 = arith.divf %mul3A_545, %add3A_552 : vector<1024x1024xf32>
      %gt3A_554 = arith.constant 3.000000e-01 : f32
      %gt3A_555 = vector.broadcast %gt3A_554 : f32 to vector<1024x1024xf32>
      %gt3A_556 = arith.cmpf ogt, %div3A_553, %gt3A_555 : vector<1024x1024xf32>
      %convert_element_type3A_557 = arith.extui %gt3A_556 : vector<1024x1024xi1> to vector<1024x1024xi32>
      %convert_element_type3A_558 = arith.sitofp %convert_element_type3A_557 : vector<1024x1024xi32> to vector<1024x1024xf32>
      %mul3A_559 = arith.constant 1024 : i32
      %mul3A_560 = arith.muli %scan3A_511, %mul3A_559 : i32
      %get3A_561 = arith.index_cast %mul3A_560 : i32 to index
      %get3A_562 = arith.constant 0 : index
      %get3A_563 = vector.load %arg3[%get3A_561, %get3A_562] : memref<5120x1xf32, #tpu.memory_space<vmem>>, vector<1024x1xf32>
      %dot_general3A_564 = arith.constant dense<0.000000e+00> : vector<1024x1xf32>
      %dot_general3A_565 = tpu.matmul %convert_element_type3A_558, %get3A_563, %dot_general3A_564 {dimension_numbers = #tpu.dot_dimension_numbers<[1], [0], [0], [1], [0, 0, 1, 1], [], []>, transpose_lhs_hint = false} : vector<1024x1024xf32>, vector<1024x1xf32>, vector<1024x1xf32> -> vector<1024x1xf32>
      %add3A_566 = arith.addf %scan3A_512, %dot_general3A_565 : vector<1024x1xf32>
      scf.yield %add3A_566 : vector<1024x1xf32>
    }
    %scan3A_260 = arith.constant 2 : i32
    %gt3A_261 = arith.constant 5.000000e-01 : f32
    %gt3A_262 = vector.broadcast %gt3A_261 : f32 to vector<1024x1xf32>
    %gt3A_263 = arith.cmpf ogt, %scan3A_259, %gt3A_262 : vector<1024x1xf32>
    %jit3A_264 = arith.constant 0.000000e+00 : f32
    %broadcast_in_dim3A_265 = vector.broadcast %jit3A_264 : f32 to vector<1024x1xf32>
    %select_n3A_266 = arith.select %gt3A_263, %broadcast_in_dim3A_265, %get3A_252 : vector<1024x1xi1>, vector<1024x1xf32>
    %sub3A_267 = arith.subf %slice3A_237, %slice3A_235 : vector<1x1024xf32>
    %sub3A_268 = arith.subf %slice3A_238, %slice3A_236 : vector<1x1024xf32>
    %mul3A_269 = arith.mulf %sub3A_267, %sub3A_268 : vector<1x1024xf32>
    %max3A_270 = vector.broadcast %dot_general3A_240 : vector<1024x1xf32> to vector<1024x1024xf32>
    %max3A_271 = vector.broadcast %slice3A_235 : vector<1x1024xf32> to vector<1024x1024xf32>
    %max3A_272 = arith.maximumf %max3A_270, %max3A_271 : vector<1024x1024xf32>
    %max3A_273 = vector.broadcast %dot_general3A_242 : vector<1024x1xf32> to vector<1024x1024xf32>
    %max3A_274 = vector.broadcast %slice3A_236 : vector<1x1024xf32> to vector<1024x1024xf32>
    %max3A_275 = arith.maximumf %max3A_273, %max3A_274 : vector<1024x1024xf32>
    %min3A_276 = vector.broadcast %dot_general3A_244 : vector<1024x1xf32> to vector<1024x1024xf32>
    %min3A_277 = vector.broadcast %slice3A_237 : vector<1x1024xf32> to vector<1024x1024xf32>
    %min3A_278 = arith.minimumf %min3A_276, %min3A_277 : vector<1024x1024xf32>
    %min3A_279 = vector.broadcast %dot_general3A_246 : vector<1024x1xf32> to vector<1024x1024xf32>
    %min3A_280 = vector.broadcast %slice3A_238 : vector<1x1024xf32> to vector<1024x1024xf32>
    %min3A_281 = arith.minimumf %min3A_279, %min3A_280 : vector<1024x1024xf32>
    %sub3A_282 = arith.subf %min3A_278, %max3A_272 : vector<1024x1024xf32>
    %max3A_283 = arith.constant 0.000000e+00 : f32
    %max3A_284 = vector.broadcast %max3A_283 : f32 to vector<1024x1024xf32>
    %max3A_285 = arith.maximumf %sub3A_282, %max3A_284 : vector<1024x1024xf32>
    %sub3A_286 = arith.subf %min3A_281, %max3A_275 : vector<1024x1024xf32>
    %max3A_287 = arith.constant 0.000000e+00 : f32
    %max3A_288 = vector.broadcast %max3A_287 : f32 to vector<1024x1024xf32>
    %max3A_289 = arith.maximumf %sub3A_286, %max3A_288 : vector<1024x1024xf32>
    %mul3A_290 = arith.mulf %max3A_285, %max3A_289 : vector<1024x1024xf32>
    %add3A_291 = vector.broadcast %mul3A_249 : vector<1024x1xf32> to vector<1024x1024xf32>
    %add3A_292 = vector.broadcast %mul3A_269 : vector<1x1024xf32> to vector<1024x1024xf32>
    %add3A_293 = arith.addf %add3A_291, %add3A_292 : vector<1024x1024xf32>
    %sub3A_294 = arith.subf %add3A_293, %mul3A_290 : vector<1024x1024xf32>
    %add3A_295 = arith.constant 9.99999971E-10 : f32
    %add3A_296 = vector.broadcast %add3A_295 : f32 to vector<1024x1024xf32>
    %add3A_297 = arith.addf %sub3A_294, %add3A_296 : vector<1024x1024xf32>
    %div3A_298 = arith.divf %mul3A_290, %add3A_297 : vector<1024x1024xf32>
    %gt3A_299 = arith.constant 3.000000e-01 : f32
    %gt3A_300 = vector.broadcast %gt3A_299 : f32 to vector<1024x1024xf32>
    %gt3A_301 = arith.cmpf ogt, %div3A_298, %gt3A_300 : vector<1024x1024xf32>
    %convert_element_type3A_302 = arith.extui %gt3A_301 : vector<1024x1024xi1> to vector<1024x1024xi32>
    %convert_element_type3A_303 = arith.sitofp %convert_element_type3A_302 : vector<1024x1024xi32> to vector<1024x1024xf32>
    %mul3A_304 = arith.mulf %convert_element_type3A_303, %convert_element_type3A_9 : vector<1024x1024xf32>
    %while3A_305 = arith.constant 0 : i32
    %while3A_306 = arith.constant true
    %while3A_307:3 = scf.while (%while3A_511 = %while3A_305, %while3A_512 = %select_n3A_266, %while3A_513 = %while3A_306) : (i32, vector<1024x1xf32>, i1) -> (i32, vector<1024x1xf32>, i1) {
      %lt3A_514 = arith.constant 1026 : i32
      %lt3A_515 = arith.cmpi slt, %while3A_511, %lt3A_514 : i32
      %and3A = arith.andi %while3A_513, %lt3A_515 : i1
      scf.condition(%and3A) %while3A_511, %while3A_512, %while3A_513 : i32, vector<1024x1xf32>, i1
    } do {
    ^bb0(%while3A_511: i32, %while3A_512: vector<1024x1xf32>, %while3A_513: i1):
      %dot_general3A_514 = arith.constant dense<0.000000e+00> : vector<1024x1xf32>
      %dot_general3A_515 = tpu.matmul %mul3A_304, %while3A_512, %dot_general3A_514 {dimension_numbers = #tpu.dot_dimension_numbers<[1], [0], [0], [1], [0, 0, 1, 1], [], []>, transpose_lhs_hint = false} : vector<1024x1024xf32>, vector<1024x1xf32>, vector<1024x1xf32> -> vector<1024x1xf32>
      %gt3A_516 = arith.constant 5.000000e-01 : f32
      %gt3A_517 = vector.broadcast %gt3A_516 : f32 to vector<1024x1xf32>
      %gt3A_518 = arith.cmpf ogt, %dot_general3A_515, %gt3A_517 : vector<1024x1xf32>
      %jit3A_519 = arith.constant 0.000000e+00 : f32
      %broadcast_in_dim3A_520 = vector.broadcast %jit3A_519 : f32 to vector<1024x1xf32>
      %select_n3A_521 = arith.select %gt3A_518, %broadcast_in_dim3A_520, %select_n3A_266 : vector<1024x1xi1>, vector<1024x1xf32>
      %add3A_522 = arith.constant 1 : i32
      %add3A_523 = arith.addi %while3A_511, %add3A_522 : i32
      %ne3A = arith.cmpf one, %select_n3A_521, %while3A_512 : vector<1024x1xf32>
      %reduce_or3A = arith.constant 1.000000e+00 : f32
      %reduce_or3A_524 = arith.constant 0.000000e+00 : f32
      %reduce_or3A_525 = vector.broadcast %reduce_or3A : f32 to vector<1024x1xf32>
      %reduce_or3A_526 = vector.broadcast %reduce_or3A_524 : f32 to vector<1024x1xf32>
      %reduce_or3A_527 = arith.select %ne3A, %reduce_or3A_525, %reduce_or3A_526 : vector<1024x1xi1>, vector<1024x1xf32>
      %reduce_or3A_528 = vector.shape_cast %reduce_or3A_527 : vector<1024x1xf32> to vector<1x1024x1xf32>
      %reduce_or3A_529 = arith.constant dense<0xFF800000> : vector<1xf32>
      %reduce_or3A_530 = vector.multi_reduction <maximumf>, %reduce_or3A_528, %reduce_or3A_529 [1, 2] : vector<1x1024x1xf32> to vector<1xf32>
      %reduce_or3A_531 = vector.shape_cast %reduce_or3A_530 : vector<1xf32> to vector<1x1x1xf32>
      %reduce_or3A_532 = vector.extract %reduce_or3A_531[0, 0, 0] : f32 from vector<1x1x1xf32>
      %reduce_or3A_533 = arith.constant 0.000000e+00 : f32
      %reduce_or3A_534 = arith.cmpf ogt, %reduce_or3A_532, %reduce_or3A_533 : f32
      scf.yield %add3A_523, %select_n3A_521, %reduce_or3A_534 : i32, vector<1024x1xf32>, i1
    }
    %swap3A_308 = arith.constant 2048 : index
    %swap3A_309 = arith.constant 0 : index
    %swap3A_310 = vector.load %arg3[%swap3A_308, %swap3A_309] : memref<5120x1xf32, #tpu.memory_space<vmem>>, vector<1024x1xf32>
    tpu.vector_store %arg3[%swap3A_308, %swap3A_309], %while3A_307#1 {strides = array<i32>} : memref<5120x1xf32, #tpu.memory_space<vmem>>, vector<1024x1xf32>,
    %get3A_311 = arith.constant 0 : index
    %get3A_312 = arith.constant 2048 : index
    %get3A_313 = vector.load %arg0[%get3A_311, %get3A_312] : memref<4x5120xf32, #tpu.memory_space<vmem>>, vector<4x1024xf32>
    %dot_general3A_314 = arith.constant dense<0.000000e+00> : vector<1024x4xf32>
    %dot_general3A_315 = tpu.matmul %convert_element_type3A_11, %get3A_313, %dot_general3A_314 {dimension_numbers = #tpu.dot_dimension_numbers<[1], [1], [0], [0], [0, 0, 1, 0], [], []>, precision = #tpu.contract_precision<fp32>, transpose_lhs_hint = false} : vector<1024x1024xf32>, vector<4x1024xf32>, vector<1024x4xf32> -> vector<1024x4xf32>
    %get3A_316 = arith.constant 2048 : index
    %get3A_317 = arith.constant 0 : index
    %get3A_318 = vector.load %arg1[%get3A_316, %get3A_317] : memref<5120x1xf32, #tpu.memory_space<vmem>>, vector<1024x1xf32>
    %concatenate3A_319 = tpu.concatenate %dot_general3A_315, %get3A_318 in 1 : vector<1024x4xf32>, vector<1024x1xf32> -> vector<1024x5xf32>
    %mul3A_320 = vector.broadcast %while3A_307#1 : vector<1024x1xf32> to vector<1024x5xf32>
    %mul3A_321 = arith.mulf %concatenate3A_319, %mul3A_320 : vector<1024x5xf32>
    %swap3A_322 = arith.constant 2048 : index
    %swap3A_323 = arith.constant 0 : index
    %swap3A_324 = vector.load %arg2[%swap3A_322, %swap3A_323] : memref<5120x5xf32, #tpu.memory_space<vmem>>, vector<1024x5xf32>
    tpu.vector_store %arg2[%swap3A_322, %swap3A_323], %mul3A_321 {strides = array<i32>} : memref<5120x5xf32, #tpu.memory_space<vmem>>, vector<1024x5xf32>,
    %get3A_325 = arith.constant 0 : index
    %get3A_326 = arith.constant 3072 : index
    %get3A_327 = vector.load %arg0[%get3A_325, %get3A_326] : memref<4x5120xf32, #tpu.memory_space<vmem>>, vector<4x1024xf32>
    %slice3A_328 = vector.extract_strided_slice %get3A_327 {offsets = [0, 0], sizes = [1, 1024], strides = [1, 1]} : vector<4x1024xf32> to vector<1x1024xf32>
    %slice3A_329 = vector.extract_strided_slice %get3A_327 {offsets = [1, 0], sizes = [1, 1024], strides = [1, 1]} : vector<4x1024xf32> to vector<1x1024xf32>
    %slice3A_330 = vector.extract_strided_slice %get3A_327 {offsets = [2, 0], sizes = [1, 1024], strides = [1, 1]} : vector<4x1024xf32> to vector<1x1024xf32>
    %slice3A_331 = vector.extract_strided_slice %get3A_327 {offsets = [3, 0], sizes = [1, 1024], strides = [1, 1]} : vector<4x1024xf32> to vector<1x1024xf32>
    %dot_general3A_332 = arith.constant dense<0.000000e+00> : vector<1024x1xf32>
    %dot_general3A_333 = tpu.matmul %convert_element_type3A_11, %slice3A_328, %dot_general3A_332 {dimension_numbers = #tpu.dot_dimension_numbers<[1], [1], [0], [0], [0, 0, 1, 0], [], []>, precision = #tpu.contract_precision<fp32>, transpose_lhs_hint = false} : vector<1024x1024xf32>, vector<1x1024xf32>, vector<1024x1xf32> -> vector<1024x1xf32>
    %dot_general3A_334 = arith.constant dense<0.000000e+00> : vector<1024x1xf32>
    %dot_general3A_335 = tpu.matmul %convert_element_type3A_11, %slice3A_329, %dot_general3A_334 {dimension_numbers = #tpu.dot_dimension_numbers<[1], [1], [0], [0], [0, 0, 1, 0], [], []>, precision = #tpu.contract_precision<fp32>, transpose_lhs_hint = false} : vector<1024x1024xf32>, vector<1x1024xf32>, vector<1024x1xf32> -> vector<1024x1xf32>
    %dot_general3A_336 = arith.constant dense<0.000000e+00> : vector<1024x1xf32>
    %dot_general3A_337 = tpu.matmul %convert_element_type3A_11, %slice3A_330, %dot_general3A_336 {dimension_numbers = #tpu.dot_dimension_numbers<[1], [1], [0], [0], [0, 0, 1, 0], [], []>, precision = #tpu.contract_precision<fp32>, transpose_lhs_hint = false} : vector<1024x1024xf32>, vector<1x1024xf32>, vector<1024x1xf32> -> vector<1024x1xf32>
    %dot_general3A_338 = arith.constant dense<0.000000e+00> : vector<1024x1xf32>
    %dot_general3A_339 = tpu.matmul %convert_element_type3A_11, %slice3A_331, %dot_general3A_338 {dimension_numbers = #tpu.dot_dimension_numbers<[1], [1], [0], [0], [0, 0, 1, 0], [], []>, precision = #tpu.contract_precision<fp32>, transpose_lhs_hint = false} : vector<1024x1024xf32>, vector<1x1024xf32>, vector<1024x1xf32> -> vector<1024x1xf32>
    %sub3A_340 = arith.subf %dot_general3A_337, %dot_general3A_333 : vector<1024x1xf32>
    %sub3A_341 = arith.subf %dot_general3A_339, %dot_general3A_335 : vector<1024x1xf32>
    %mul3A_342 = arith.mulf %sub3A_340, %sub3A_341 : vector<1024x1xf32>
    %get3A_343 = arith.constant 3072 : index
    %get3A_344 = arith.constant 0 : index
    %get3A_345 = vector.load %arg3[%get3A_343, %get3A_344] : memref<5120x1xf32, #tpu.memory_space<vmem>>, vector<1024x1xf32>
    %broadcast_in_dim3A_346 = arith.constant 0.000000e+00 : f32
    %broadcast_in_dim3A_347 = vector.broadcast %broadcast_in_dim3A_346 : f32 to vector<1024x1xf32>
    %scan3A_348 = arith.constant 0 : i32
    %scan3A_349 = arith.constant 3 : i32
    %scan3A_350 = arith.addi %scan3A_348, %scan3A_349 : i32
    %scan3A_351 = arith.constant 1 : i32
    %scan3A_352 = scf.for %scan3A_511 = %scan3A_348 to %scan3A_350 step %scan3A_351 iter_args(%scan3A_512 = %broadcast_in_dim3A_347) -> (vector<1024x1xf32>)  : i32 {
      %mul3A_513 = arith.constant 1024 : i32
      %mul3A_514 = arith.muli %scan3A_511, %mul3A_513 : i32
      %get3A_515 = arith.constant 0 : index
      %get3A_516 = arith.index_cast %mul3A_514 : i32 to index
      %get3A_517 = vector.load %arg0[%get3A_515, %get3A_516] : memref<4x5120xf32, #tpu.memory_space<vmem>>, vector<4x1024xf32>
      %slice3A_518 = vector.extract_strided_slice %get3A_517 {offsets = [0, 0], sizes = [1, 1024], strides = [1, 1]} : vector<4x1024xf32> to vector<1x1024xf32>
      %slice3A_519 = vector.extract_strided_slice %get3A_517 {offsets = [1, 0], sizes = [1, 1024], strides = [1, 1]} : vector<4x1024xf32> to vector<1x1024xf32>
      %slice3A_520 = vector.extract_strided_slice %get3A_517 {offsets = [2, 0], sizes = [1, 1024], strides = [1, 1]} : vector<4x1024xf32> to vector<1x1024xf32>
      %slice3A_521 = vector.extract_strided_slice %get3A_517 {offsets = [3, 0], sizes = [1, 1024], strides = [1, 1]} : vector<4x1024xf32> to vector<1x1024xf32>
      %sub3A_522 = arith.subf %slice3A_520, %slice3A_518 : vector<1x1024xf32>
      %sub3A_523 = arith.subf %slice3A_521, %slice3A_519 : vector<1x1024xf32>
      %mul3A_524 = arith.mulf %sub3A_522, %sub3A_523 : vector<1x1024xf32>
      %max3A_525 = vector.broadcast %dot_general3A_333 : vector<1024x1xf32> to vector<1024x1024xf32>
      %max3A_526 = vector.broadcast %slice3A_518 : vector<1x1024xf32> to vector<1024x1024xf32>
      %max3A_527 = arith.maximumf %max3A_525, %max3A_526 : vector<1024x1024xf32>
      %max3A_528 = vector.broadcast %dot_general3A_335 : vector<1024x1xf32> to vector<1024x1024xf32>
      %max3A_529 = vector.broadcast %slice3A_519 : vector<1x1024xf32> to vector<1024x1024xf32>
      %max3A_530 = arith.maximumf %max3A_528, %max3A_529 : vector<1024x1024xf32>
      %min3A_531 = vector.broadcast %dot_general3A_337 : vector<1024x1xf32> to vector<1024x1024xf32>
      %min3A_532 = vector.broadcast %slice3A_520 : vector<1x1024xf32> to vector<1024x1024xf32>
      %min3A_533 = arith.minimumf %min3A_531, %min3A_532 : vector<1024x1024xf32>
      %min3A_534 = vector.broadcast %dot_general3A_339 : vector<1024x1xf32> to vector<1024x1024xf32>
      %min3A_535 = vector.broadcast %slice3A_521 : vector<1x1024xf32> to vector<1024x1024xf32>
      %min3A_536 = arith.minimumf %min3A_534, %min3A_535 : vector<1024x1024xf32>
      %sub3A_537 = arith.subf %min3A_533, %max3A_527 : vector<1024x1024xf32>
      %max3A_538 = arith.constant 0.000000e+00 : f32
      %max3A_539 = vector.broadcast %max3A_538 : f32 to vector<1024x1024xf32>
      %max3A_540 = arith.maximumf %sub3A_537, %max3A_539 : vector<1024x1024xf32>
      %sub3A_541 = arith.subf %min3A_536, %max3A_530 : vector<1024x1024xf32>
      %max3A_542 = arith.constant 0.000000e+00 : f32
      %max3A_543 = vector.broadcast %max3A_542 : f32 to vector<1024x1024xf32>
      %max3A_544 = arith.maximumf %sub3A_541, %max3A_543 : vector<1024x1024xf32>
      %mul3A_545 = arith.mulf %max3A_540, %max3A_544 : vector<1024x1024xf32>
      %add3A_546 = vector.broadcast %mul3A_342 : vector<1024x1xf32> to vector<1024x1024xf32>
      %add3A_547 = vector.broadcast %mul3A_524 : vector<1x1024xf32> to vector<1024x1024xf32>
      %add3A_548 = arith.addf %add3A_546, %add3A_547 : vector<1024x1024xf32>
      %sub3A_549 = arith.subf %add3A_548, %mul3A_545 : vector<1024x1024xf32>
      %add3A_550 = arith.constant 9.99999971E-10 : f32
      %add3A_551 = vector.broadcast %add3A_550 : f32 to vector<1024x1024xf32>
      %add3A_552 = arith.addf %sub3A_549, %add3A_551 : vector<1024x1024xf32>
      %div3A_553 = arith.divf %mul3A_545, %add3A_552 : vector<1024x1024xf32>
      %gt3A_554 = arith.constant 3.000000e-01 : f32
      %gt3A_555 = vector.broadcast %gt3A_554 : f32 to vector<1024x1024xf32>
      %gt3A_556 = arith.cmpf ogt, %div3A_553, %gt3A_555 : vector<1024x1024xf32>
      %convert_element_type3A_557 = arith.extui %gt3A_556 : vector<1024x1024xi1> to vector<1024x1024xi32>
      %convert_element_type3A_558 = arith.sitofp %convert_element_type3A_557 : vector<1024x1024xi32> to vector<1024x1024xf32>
      %mul3A_559 = arith.constant 1024 : i32
      %mul3A_560 = arith.muli %scan3A_511, %mul3A_559 : i32
      %get3A_561 = arith.index_cast %mul3A_560 : i32 to index
      %get3A_562 = arith.constant 0 : index
      %get3A_563 = vector.load %arg3[%get3A_561, %get3A_562] : memref<5120x1xf32, #tpu.memory_space<vmem>>, vector<1024x1xf32>
      %dot_general3A_564 = arith.constant dense<0.000000e+00> : vector<1024x1xf32>
      %dot_general3A_565 = tpu.matmul %convert_element_type3A_558, %get3A_563, %dot_general3A_564 {dimension_numbers = #tpu.dot_dimension_numbers<[1], [0], [0], [1], [0, 0, 1, 1], [], []>, transpose_lhs_hint = false} : vector<1024x1024xf32>, vector<1024x1xf32>, vector<1024x1xf32> -> vector<1024x1xf32>
      %add3A_566 = arith.addf %scan3A_512, %dot_general3A_565 : vector<1024x1xf32>
      scf.yield %add3A_566 : vector<1024x1xf32>
    }
    %scan3A_353 = arith.constant 3 : i32
    %gt3A_354 = arith.constant 5.000000e-01 : f32
    %gt3A_355 = vector.broadcast %gt3A_354 : f32 to vector<1024x1xf32>
    %gt3A_356 = arith.cmpf ogt, %scan3A_352, %gt3A_355 : vector<1024x1xf32>
    %jit3A_357 = arith.constant 0.000000e+00 : f32
    %broadcast_in_dim3A_358 = vector.broadcast %jit3A_357 : f32 to vector<1024x1xf32>
    %select_n3A_359 = arith.select %gt3A_356, %broadcast_in_dim3A_358, %get3A_345 : vector<1024x1xi1>, vector<1024x1xf32>
    %sub3A_360 = arith.subf %slice3A_330, %slice3A_328 : vector<1x1024xf32>
    %sub3A_361 = arith.subf %slice3A_331, %slice3A_329 : vector<1x1024xf32>
    %mul3A_362 = arith.mulf %sub3A_360, %sub3A_361 : vector<1x1024xf32>
    %max3A_363 = vector.broadcast %dot_general3A_333 : vector<1024x1xf32> to vector<1024x1024xf32>
    %max3A_364 = vector.broadcast %slice3A_328 : vector<1x1024xf32> to vector<1024x1024xf32>
    %max3A_365 = arith.maximumf %max3A_363, %max3A_364 : vector<1024x1024xf32>
    %max3A_366 = vector.broadcast %dot_general3A_335 : vector<1024x1xf32> to vector<1024x1024xf32>
    %max3A_367 = vector.broadcast %slice3A_329 : vector<1x1024xf32> to vector<1024x1024xf32>
    %max3A_368 = arith.maximumf %max3A_366, %max3A_367 : vector<1024x1024xf32>
    %min3A_369 = vector.broadcast %dot_general3A_337 : vector<1024x1xf32> to vector<1024x1024xf32>
    %min3A_370 = vector.broadcast %slice3A_330 : vector<1x1024xf32> to vector<1024x1024xf32>
    %min3A_371 = arith.minimumf %min3A_369, %min3A_370 : vector<1024x1024xf32>
    %min3A_372 = vector.broadcast %dot_general3A_339 : vector<1024x1xf32> to vector<1024x1024xf32>
    %min3A_373 = vector.broadcast %slice3A_331 : vector<1x1024xf32> to vector<1024x1024xf32>
    %min3A_374 = arith.minimumf %min3A_372, %min3A_373 : vector<1024x1024xf32>
    %sub3A_375 = arith.subf %min3A_371, %max3A_365 : vector<1024x1024xf32>
    %max3A_376 = arith.constant 0.000000e+00 : f32
    %max3A_377 = vector.broadcast %max3A_376 : f32 to vector<1024x1024xf32>
    %max3A_378 = arith.maximumf %sub3A_375, %max3A_377 : vector<1024x1024xf32>
    %sub3A_379 = arith.subf %min3A_374, %max3A_368 : vector<1024x1024xf32>
    %max3A_380 = arith.constant 0.000000e+00 : f32
    %max3A_381 = vector.broadcast %max3A_380 : f32 to vector<1024x1024xf32>
    %max3A_382 = arith.maximumf %sub3A_379, %max3A_381 : vector<1024x1024xf32>
    %mul3A_383 = arith.mulf %max3A_378, %max3A_382 : vector<1024x1024xf32>
    %add3A_384 = vector.broadcast %mul3A_342 : vector<1024x1xf32> to vector<1024x1024xf32>
    %add3A_385 = vector.broadcast %mul3A_362 : vector<1x1024xf32> to vector<1024x1024xf32>
    %add3A_386 = arith.addf %add3A_384, %add3A_385 : vector<1024x1024xf32>
    %sub3A_387 = arith.subf %add3A_386, %mul3A_383 : vector<1024x1024xf32>
    %add3A_388 = arith.constant 9.99999971E-10 : f32
    %add3A_389 = vector.broadcast %add3A_388 : f32 to vector<1024x1024xf32>
    %add3A_390 = arith.addf %sub3A_387, %add3A_389 : vector<1024x1024xf32>
    %div3A_391 = arith.divf %mul3A_383, %add3A_390 : vector<1024x1024xf32>
    %gt3A_392 = arith.constant 3.000000e-01 : f32
    %gt3A_393 = vector.broadcast %gt3A_392 : f32 to vector<1024x1024xf32>
    %gt3A_394 = arith.cmpf ogt, %div3A_391, %gt3A_393 : vector<1024x1024xf32>
    %convert_element_type3A_395 = arith.extui %gt3A_394 : vector<1024x1024xi1> to vector<1024x1024xi32>
    %convert_element_type3A_396 = arith.sitofp %convert_element_type3A_395 : vector<1024x1024xi32> to vector<1024x1024xf32>
    %mul3A_397 = arith.mulf %convert_element_type3A_396, %convert_element_type3A_9 : vector<1024x1024xf32>
    %while3A_398 = arith.constant 0 : i32
    %while3A_399 = arith.constant true
    %while3A_400:3 = scf.while (%while3A_511 = %while3A_398, %while3A_512 = %select_n3A_359, %while3A_513 = %while3A_399) : (i32, vector<1024x1xf32>, i1) -> (i32, vector<1024x1xf32>, i1) {
      %lt3A_514 = arith.constant 1026 : i32
      %lt3A_515 = arith.cmpi slt, %while3A_511, %lt3A_514 : i32
      %and3A = arith.andi %while3A_513, %lt3A_515 : i1
      scf.condition(%and3A) %while3A_511, %while3A_512, %while3A_513 : i32, vector<1024x1xf32>, i1
    } do {
    ^bb0(%while3A_511: i32, %while3A_512: vector<1024x1xf32>, %while3A_513: i1):
      %dot_general3A_514 = arith.constant dense<0.000000e+00> : vector<1024x1xf32>
      %dot_general3A_515 = tpu.matmul %mul3A_397, %while3A_512, %dot_general3A_514 {dimension_numbers = #tpu.dot_dimension_numbers<[1], [0], [0], [1], [0, 0, 1, 1], [], []>, transpose_lhs_hint = false} : vector<1024x1024xf32>, vector<1024x1xf32>, vector<1024x1xf32> -> vector<1024x1xf32>
      %gt3A_516 = arith.constant 5.000000e-01 : f32
      %gt3A_517 = vector.broadcast %gt3A_516 : f32 to vector<1024x1xf32>
      %gt3A_518 = arith.cmpf ogt, %dot_general3A_515, %gt3A_517 : vector<1024x1xf32>
      %jit3A_519 = arith.constant 0.000000e+00 : f32
      %broadcast_in_dim3A_520 = vector.broadcast %jit3A_519 : f32 to vector<1024x1xf32>
      %select_n3A_521 = arith.select %gt3A_518, %broadcast_in_dim3A_520, %select_n3A_359 : vector<1024x1xi1>, vector<1024x1xf32>
      %add3A_522 = arith.constant 1 : i32
      %add3A_523 = arith.addi %while3A_511, %add3A_522 : i32
      %ne3A = arith.cmpf one, %select_n3A_521, %while3A_512 : vector<1024x1xf32>
      %reduce_or3A = arith.constant 1.000000e+00 : f32
      %reduce_or3A_524 = arith.constant 0.000000e+00 : f32
      %reduce_or3A_525 = vector.broadcast %reduce_or3A : f32 to vector<1024x1xf32>
      %reduce_or3A_526 = vector.broadcast %reduce_or3A_524 : f32 to vector<1024x1xf32>
      %reduce_or3A_527 = arith.select %ne3A, %reduce_or3A_525, %reduce_or3A_526 : vector<1024x1xi1>, vector<1024x1xf32>
      %reduce_or3A_528 = vector.shape_cast %reduce_or3A_527 : vector<1024x1xf32> to vector<1x1024x1xf32>
      %reduce_or3A_529 = arith.constant dense<0xFF800000> : vector<1xf32>
      %reduce_or3A_530 = vector.multi_reduction <maximumf>, %reduce_or3A_528, %reduce_or3A_529 [1, 2] : vector<1x1024x1xf32> to vector<1xf32>
      %reduce_or3A_531 = vector.shape_cast %reduce_or3A_530 : vector<1xf32> to vector<1x1x1xf32>
      %reduce_or3A_532 = vector.extract %reduce_or3A_531[0, 0, 0] : f32 from vector<1x1x1xf32>
      %reduce_or3A_533 = arith.constant 0.000000e+00 : f32
      %reduce_or3A_534 = arith.cmpf ogt, %reduce_or3A_532, %reduce_or3A_533 : f32
      scf.yield %add3A_523, %select_n3A_521, %reduce_or3A_534 : i32, vector<1024x1xf32>, i1
    }
    %swap3A_401 = arith.constant 3072 : index
    %swap3A_402 = arith.constant 0 : index
    %swap3A_403 = vector.load %arg3[%swap3A_401, %swap3A_402] : memref<5120x1xf32, #tpu.memory_space<vmem>>, vector<1024x1xf32>
    tpu.vector_store %arg3[%swap3A_401, %swap3A_402], %while3A_400#1 {strides = array<i32>} : memref<5120x1xf32, #tpu.memory_space<vmem>>, vector<1024x1xf32>,
    %get3A_404 = arith.constant 0 : index
    %get3A_405 = arith.constant 3072 : index
    %get3A_406 = vector.load %arg0[%get3A_404, %get3A_405] : memref<4x5120xf32, #tpu.memory_space<vmem>>, vector<4x1024xf32>
    %dot_general3A_407 = arith.constant dense<0.000000e+00> : vector<1024x4xf32>
    %dot_general3A_408 = tpu.matmul %convert_element_type3A_11, %get3A_406, %dot_general3A_407 {dimension_numbers = #tpu.dot_dimension_numbers<[1], [1], [0], [0], [0, 0, 1, 0], [], []>, precision = #tpu.contract_precision<fp32>, transpose_lhs_hint = false} : vector<1024x1024xf32>, vector<4x1024xf32>, vector<1024x4xf32> -> vector<1024x4xf32>
    %get3A_409 = arith.constant 3072 : index
    %get3A_410 = arith.constant 0 : index
    %get3A_411 = vector.load %arg1[%get3A_409, %get3A_410] : memref<5120x1xf32, #tpu.memory_space<vmem>>, vector<1024x1xf32>
    %concatenate3A_412 = tpu.concatenate %dot_general3A_408, %get3A_411 in 1 : vector<1024x4xf32>, vector<1024x1xf32> -> vector<1024x5xf32>
    %mul3A_413 = vector.broadcast %while3A_400#1 : vector<1024x1xf32> to vector<1024x5xf32>
    %mul3A_414 = arith.mulf %concatenate3A_412, %mul3A_413 : vector<1024x5xf32>
    %swap3A_415 = arith.constant 3072 : index
    %swap3A_416 = arith.constant 0 : index
    %swap3A_417 = vector.load %arg2[%swap3A_415, %swap3A_416] : memref<5120x5xf32, #tpu.memory_space<vmem>>, vector<1024x5xf32>
    tpu.vector_store %arg2[%swap3A_415, %swap3A_416], %mul3A_414 {strides = array<i32>} : memref<5120x5xf32, #tpu.memory_space<vmem>>, vector<1024x5xf32>,
    %get3A_418 = arith.constant 0 : index
    %get3A_419 = arith.constant 4096 : index
    %get3A_420 = vector.load %arg0[%get3A_418, %get3A_419] : memref<4x5120xf32, #tpu.memory_space<vmem>>, vector<4x1024xf32>
    %slice3A_421 = vector.extract_strided_slice %get3A_420 {offsets = [0, 0], sizes = [1, 1024], strides = [1, 1]} : vector<4x1024xf32> to vector<1x1024xf32>
    %slice3A_422 = vector.extract_strided_slice %get3A_420 {offsets = [1, 0], sizes = [1, 1024], strides = [1, 1]} : vector<4x1024xf32> to vector<1x1024xf32>
    %slice3A_423 = vector.extract_strided_slice %get3A_420 {offsets = [2, 0], sizes = [1, 1024], strides = [1, 1]} : vector<4x1024xf32> to vector<1x1024xf32>
    %slice3A_424 = vector.extract_strided_slice %get3A_420 {offsets = [3, 0], sizes = [1, 1024], strides = [1, 1]} : vector<4x1024xf32> to vector<1x1024xf32>
    %dot_general3A_425 = arith.constant dense<0.000000e+00> : vector<1024x1xf32>
    %dot_general3A_426 = tpu.matmul %convert_element_type3A_11, %slice3A_421, %dot_general3A_425 {dimension_numbers = #tpu.dot_dimension_numbers<[1], [1], [0], [0], [0, 0, 1, 0], [], []>, precision = #tpu.contract_precision<fp32>, transpose_lhs_hint = false} : vector<1024x1024xf32>, vector<1x1024xf32>, vector<1024x1xf32> -> vector<1024x1xf32>
    %dot_general3A_427 = arith.constant dense<0.000000e+00> : vector<1024x1xf32>
    %dot_general3A_428 = tpu.matmul %convert_element_type3A_11, %slice3A_422, %dot_general3A_427 {dimension_numbers = #tpu.dot_dimension_numbers<[1], [1], [0], [0], [0, 0, 1, 0], [], []>, precision = #tpu.contract_precision<fp32>, transpose_lhs_hint = false} : vector<1024x1024xf32>, vector<1x1024xf32>, vector<1024x1xf32> -> vector<1024x1xf32>
    %dot_general3A_429 = arith.constant dense<0.000000e+00> : vector<1024x1xf32>
    %dot_general3A_430 = tpu.matmul %convert_element_type3A_11, %slice3A_423, %dot_general3A_429 {dimension_numbers = #tpu.dot_dimension_numbers<[1], [1], [0], [0], [0, 0, 1, 0], [], []>, precision = #tpu.contract_precision<fp32>, transpose_lhs_hint = false} : vector<1024x1024xf32>, vector<1x1024xf32>, vector<1024x1xf32> -> vector<1024x1xf32>
    %dot_general3A_431 = arith.constant dense<0.000000e+00> : vector<1024x1xf32>
    %dot_general3A_432 = tpu.matmul %convert_element_type3A_11, %slice3A_424, %dot_general3A_431 {dimension_numbers = #tpu.dot_dimension_numbers<[1], [1], [0], [0], [0, 0, 1, 0], [], []>, precision = #tpu.contract_precision<fp32>, transpose_lhs_hint = false} : vector<1024x1024xf32>, vector<1x1024xf32>, vector<1024x1xf32> -> vector<1024x1xf32>
    %sub3A_433 = arith.subf %dot_general3A_430, %dot_general3A_426 : vector<1024x1xf32>
    %sub3A_434 = arith.subf %dot_general3A_432, %dot_general3A_428 : vector<1024x1xf32>
    %mul3A_435 = arith.mulf %sub3A_433, %sub3A_434 : vector<1024x1xf32>
    %get3A_436 = arith.constant 4096 : index
    %get3A_437 = arith.constant 0 : index
    %get3A_438 = vector.load %arg3[%get3A_436, %get3A_437] : memref<5120x1xf32, #tpu.memory_space<vmem>>, vector<1024x1xf32>
    %broadcast_in_dim3A_439 = arith.constant 0.000000e+00 : f32
    %broadcast_in_dim3A_440 = vector.broadcast %broadcast_in_dim3A_439 : f32 to vector<1024x1xf32>
    %scan3A_441 = arith.constant 0 : i32
    %scan3A_442 = arith.constant 4 : i32
    %scan3A_443 = arith.addi %scan3A_441, %scan3A_442 : i32
    %scan3A_444 = arith.constant 1 : i32
    %scan3A_445 = scf.for %scan3A_511 = %scan3A_441 to %scan3A_443 step %scan3A_444 iter_args(%scan3A_512 = %broadcast_in_dim3A_440) -> (vector<1024x1xf32>)  : i32 {
      %mul3A_513 = arith.constant 1024 : i32
      %mul3A_514 = arith.muli %scan3A_511, %mul3A_513 : i32
      %get3A_515 = arith.constant 0 : index
      %get3A_516 = arith.index_cast %mul3A_514 : i32 to index
      %get3A_517 = vector.load %arg0[%get3A_515, %get3A_516] : memref<4x5120xf32, #tpu.memory_space<vmem>>, vector<4x1024xf32>
      %slice3A_518 = vector.extract_strided_slice %get3A_517 {offsets = [0, 0], sizes = [1, 1024], strides = [1, 1]} : vector<4x1024xf32> to vector<1x1024xf32>
      %slice3A_519 = vector.extract_strided_slice %get3A_517 {offsets = [1, 0], sizes = [1, 1024], strides = [1, 1]} : vector<4x1024xf32> to vector<1x1024xf32>
      %slice3A_520 = vector.extract_strided_slice %get3A_517 {offsets = [2, 0], sizes = [1, 1024], strides = [1, 1]} : vector<4x1024xf32> to vector<1x1024xf32>
      %slice3A_521 = vector.extract_strided_slice %get3A_517 {offsets = [3, 0], sizes = [1, 1024], strides = [1, 1]} : vector<4x1024xf32> to vector<1x1024xf32>
      %sub3A_522 = arith.subf %slice3A_520, %slice3A_518 : vector<1x1024xf32>
      %sub3A_523 = arith.subf %slice3A_521, %slice3A_519 : vector<1x1024xf32>
      %mul3A_524 = arith.mulf %sub3A_522, %sub3A_523 : vector<1x1024xf32>
      %max3A_525 = vector.broadcast %dot_general3A_426 : vector<1024x1xf32> to vector<1024x1024xf32>
      %max3A_526 = vector.broadcast %slice3A_518 : vector<1x1024xf32> to vector<1024x1024xf32>
      %max3A_527 = arith.maximumf %max3A_525, %max3A_526 : vector<1024x1024xf32>
      %max3A_528 = vector.broadcast %dot_general3A_428 : vector<1024x1xf32> to vector<1024x1024xf32>
      %max3A_529 = vector.broadcast %slice3A_519 : vector<1x1024xf32> to vector<1024x1024xf32>
      %max3A_530 = arith.maximumf %max3A_528, %max3A_529 : vector<1024x1024xf32>
      %min3A_531 = vector.broadcast %dot_general3A_430 : vector<1024x1xf32> to vector<1024x1024xf32>
      %min3A_532 = vector.broadcast %slice3A_520 : vector<1x1024xf32> to vector<1024x1024xf32>
      %min3A_533 = arith.minimumf %min3A_531, %min3A_532 : vector<1024x1024xf32>
      %min3A_534 = vector.broadcast %dot_general3A_432 : vector<1024x1xf32> to vector<1024x1024xf32>
      %min3A_535 = vector.broadcast %slice3A_521 : vector<1x1024xf32> to vector<1024x1024xf32>
      %min3A_536 = arith.minimumf %min3A_534, %min3A_535 : vector<1024x1024xf32>
      %sub3A_537 = arith.subf %min3A_533, %max3A_527 : vector<1024x1024xf32>
      %max3A_538 = arith.constant 0.000000e+00 : f32
      %max3A_539 = vector.broadcast %max3A_538 : f32 to vector<1024x1024xf32>
      %max3A_540 = arith.maximumf %sub3A_537, %max3A_539 : vector<1024x1024xf32>
      %sub3A_541 = arith.subf %min3A_536, %max3A_530 : vector<1024x1024xf32>
      %max3A_542 = arith.constant 0.000000e+00 : f32
      %max3A_543 = vector.broadcast %max3A_542 : f32 to vector<1024x1024xf32>
      %max3A_544 = arith.maximumf %sub3A_541, %max3A_543 : vector<1024x1024xf32>
      %mul3A_545 = arith.mulf %max3A_540, %max3A_544 : vector<1024x1024xf32>
      %add3A_546 = vector.broadcast %mul3A_435 : vector<1024x1xf32> to vector<1024x1024xf32>
      %add3A_547 = vector.broadcast %mul3A_524 : vector<1x1024xf32> to vector<1024x1024xf32>
      %add3A_548 = arith.addf %add3A_546, %add3A_547 : vector<1024x1024xf32>
      %sub3A_549 = arith.subf %add3A_548, %mul3A_545 : vector<1024x1024xf32>
      %add3A_550 = arith.constant 9.99999971E-10 : f32
      %add3A_551 = vector.broadcast %add3A_550 : f32 to vector<1024x1024xf32>
      %add3A_552 = arith.addf %sub3A_549, %add3A_551 : vector<1024x1024xf32>
      %div3A_553 = arith.divf %mul3A_545, %add3A_552 : vector<1024x1024xf32>
      %gt3A_554 = arith.constant 3.000000e-01 : f32
      %gt3A_555 = vector.broadcast %gt3A_554 : f32 to vector<1024x1024xf32>
      %gt3A_556 = arith.cmpf ogt, %div3A_553, %gt3A_555 : vector<1024x1024xf32>
      %convert_element_type3A_557 = arith.extui %gt3A_556 : vector<1024x1024xi1> to vector<1024x1024xi32>
      %convert_element_type3A_558 = arith.sitofp %convert_element_type3A_557 : vector<1024x1024xi32> to vector<1024x1024xf32>
      %mul3A_559 = arith.constant 1024 : i32
      %mul3A_560 = arith.muli %scan3A_511, %mul3A_559 : i32
      %get3A_561 = arith.index_cast %mul3A_560 : i32 to index
      %get3A_562 = arith.constant 0 : index
      %get3A_563 = vector.load %arg3[%get3A_561, %get3A_562] : memref<5120x1xf32, #tpu.memory_space<vmem>>, vector<1024x1xf32>
      %dot_general3A_564 = arith.constant dense<0.000000e+00> : vector<1024x1xf32>
      %dot_general3A_565 = tpu.matmul %convert_element_type3A_558, %get3A_563, %dot_general3A_564 {dimension_numbers = #tpu.dot_dimension_numbers<[1], [0], [0], [1], [0, 0, 1, 1], [], []>, transpose_lhs_hint = false} : vector<1024x1024xf32>, vector<1024x1xf32>, vector<1024x1xf32> -> vector<1024x1xf32>
      %add3A_566 = arith.addf %scan3A_512, %dot_general3A_565 : vector<1024x1xf32>
      scf.yield %add3A_566 : vector<1024x1xf32>
    }
    %scan3A_446 = arith.constant 4 : i32
    %gt3A_447 = arith.constant 5.000000e-01 : f32
    %gt3A_448 = vector.broadcast %gt3A_447 : f32 to vector<1024x1xf32>
    %gt3A_449 = arith.cmpf ogt, %scan3A_445, %gt3A_448 : vector<1024x1xf32>
    %jit3A_450 = arith.constant 0.000000e+00 : f32
    %broadcast_in_dim3A_451 = vector.broadcast %jit3A_450 : f32 to vector<1024x1xf32>
    %select_n3A_452 = arith.select %gt3A_449, %broadcast_in_dim3A_451, %get3A_438 : vector<1024x1xi1>, vector<1024x1xf32>
    %sub3A_453 = arith.subf %slice3A_423, %slice3A_421 : vector<1x1024xf32>
    %sub3A_454 = arith.subf %slice3A_424, %slice3A_422 : vector<1x1024xf32>
    %mul3A_455 = arith.mulf %sub3A_453, %sub3A_454 : vector<1x1024xf32>
    %max3A_456 = vector.broadcast %dot_general3A_426 : vector<1024x1xf32> to vector<1024x1024xf32>
    %max3A_457 = vector.broadcast %slice3A_421 : vector<1x1024xf32> to vector<1024x1024xf32>
    %max3A_458 = arith.maximumf %max3A_456, %max3A_457 : vector<1024x1024xf32>
    %max3A_459 = vector.broadcast %dot_general3A_428 : vector<1024x1xf32> to vector<1024x1024xf32>
    %max3A_460 = vector.broadcast %slice3A_422 : vector<1x1024xf32> to vector<1024x1024xf32>
    %max3A_461 = arith.maximumf %max3A_459, %max3A_460 : vector<1024x1024xf32>
    %min3A_462 = vector.broadcast %dot_general3A_430 : vector<1024x1xf32> to vector<1024x1024xf32>
    %min3A_463 = vector.broadcast %slice3A_423 : vector<1x1024xf32> to vector<1024x1024xf32>
    %min3A_464 = arith.minimumf %min3A_462, %min3A_463 : vector<1024x1024xf32>
    %min3A_465 = vector.broadcast %dot_general3A_432 : vector<1024x1xf32> to vector<1024x1024xf32>
    %min3A_466 = vector.broadcast %slice3A_424 : vector<1x1024xf32> to vector<1024x1024xf32>
    %min3A_467 = arith.minimumf %min3A_465, %min3A_466 : vector<1024x1024xf32>
    %sub3A_468 = arith.subf %min3A_464, %max3A_458 : vector<1024x1024xf32>
    %max3A_469 = arith.constant 0.000000e+00 : f32
    %max3A_470 = vector.broadcast %max3A_469 : f32 to vector<1024x1024xf32>
    %max3A_471 = arith.maximumf %sub3A_468, %max3A_470 : vector<1024x1024xf32>
    %sub3A_472 = arith.subf %min3A_467, %max3A_461 : vector<1024x1024xf32>
    %max3A_473 = arith.constant 0.000000e+00 : f32
    %max3A_474 = vector.broadcast %max3A_473 : f32 to vector<1024x1024xf32>
    %max3A_475 = arith.maximumf %sub3A_472, %max3A_474 : vector<1024x1024xf32>
    %mul3A_476 = arith.mulf %max3A_471, %max3A_475 : vector<1024x1024xf32>
    %add3A_477 = vector.broadcast %mul3A_435 : vector<1024x1xf32> to vector<1024x1024xf32>
    %add3A_478 = vector.broadcast %mul3A_455 : vector<1x1024xf32> to vector<1024x1024xf32>
    %add3A_479 = arith.addf %add3A_477, %add3A_478 : vector<1024x1024xf32>
    %sub3A_480 = arith.subf %add3A_479, %mul3A_476 : vector<1024x1024xf32>
    %add3A_481 = arith.constant 9.99999971E-10 : f32
    %add3A_482 = vector.broadcast %add3A_481 : f32 to vector<1024x1024xf32>
    %add3A_483 = arith.addf %sub3A_480, %add3A_482 : vector<1024x1024xf32>
    %div3A_484 = arith.divf %mul3A_476, %add3A_483 : vector<1024x1024xf32>
    %gt3A_485 = arith.constant 3.000000e-01 : f32
    %gt3A_486 = vector.broadcast %gt3A_485 : f32 to vector<1024x1024xf32>
    %gt3A_487 = arith.cmpf ogt, %div3A_484, %gt3A_486 : vector<1024x1024xf32>
    %convert_element_type3A_488 = arith.extui %gt3A_487 : vector<1024x1024xi1> to vector<1024x1024xi32>
    %convert_element_type3A_489 = arith.sitofp %convert_element_type3A_488 : vector<1024x1024xi32> to vector<1024x1024xf32>
    %mul3A_490 = arith.mulf %convert_element_type3A_489, %convert_element_type3A_9 : vector<1024x1024xf32>
    %while3A_491 = arith.constant 0 : i32
    %while3A_492 = arith.constant true
    %while3A_493:3 = scf.while (%while3A_511 = %while3A_491, %while3A_512 = %select_n3A_452, %while3A_513 = %while3A_492) : (i32, vector<1024x1xf32>, i1) -> (i32, vector<1024x1xf32>, i1) {
      %lt3A_514 = arith.constant 1026 : i32
      %lt3A_515 = arith.cmpi slt, %while3A_511, %lt3A_514 : i32
      %and3A = arith.andi %while3A_513, %lt3A_515 : i1
      scf.condition(%and3A) %while3A_511, %while3A_512, %while3A_513 : i32, vector<1024x1xf32>, i1
    } do {
    ^bb0(%while3A_511: i32, %while3A_512: vector<1024x1xf32>, %while3A_513: i1):
      %dot_general3A_514 = arith.constant dense<0.000000e+00> : vector<1024x1xf32>
      %dot_general3A_515 = tpu.matmul %mul3A_490, %while3A_512, %dot_general3A_514 {dimension_numbers = #tpu.dot_dimension_numbers<[1], [0], [0], [1], [0, 0, 1, 1], [], []>, transpose_lhs_hint = false} : vector<1024x1024xf32>, vector<1024x1xf32>, vector<1024x1xf32> -> vector<1024x1xf32>
      %gt3A_516 = arith.constant 5.000000e-01 : f32
      %gt3A_517 = vector.broadcast %gt3A_516 : f32 to vector<1024x1xf32>
      %gt3A_518 = arith.cmpf ogt, %dot_general3A_515, %gt3A_517 : vector<1024x1xf32>
      %jit3A_519 = arith.constant 0.000000e+00 : f32
      %broadcast_in_dim3A_520 = vector.broadcast %jit3A_519 : f32 to vector<1024x1xf32>
      %select_n3A_521 = arith.select %gt3A_518, %broadcast_in_dim3A_520, %select_n3A_452 : vector<1024x1xi1>, vector<1024x1xf32>
      %add3A_522 = arith.constant 1 : i32
      %add3A_523 = arith.addi %while3A_511, %add3A_522 : i32
      %ne3A = arith.cmpf one, %select_n3A_521, %while3A_512 : vector<1024x1xf32>
      %reduce_or3A = arith.constant 1.000000e+00 : f32
      %reduce_or3A_524 = arith.constant 0.000000e+00 : f32
      %reduce_or3A_525 = vector.broadcast %reduce_or3A : f32 to vector<1024x1xf32>
      %reduce_or3A_526 = vector.broadcast %reduce_or3A_524 : f32 to vector<1024x1xf32>
      %reduce_or3A_527 = arith.select %ne3A, %reduce_or3A_525, %reduce_or3A_526 : vector<1024x1xi1>, vector<1024x1xf32>
      %reduce_or3A_528 = vector.shape_cast %reduce_or3A_527 : vector<1024x1xf32> to vector<1x1024x1xf32>
      %reduce_or3A_529 = arith.constant dense<0xFF800000> : vector<1xf32>
      %reduce_or3A_530 = vector.multi_reduction <maximumf>, %reduce_or3A_528, %reduce_or3A_529 [1, 2] : vector<1x1024x1xf32> to vector<1xf32>
      %reduce_or3A_531 = vector.shape_cast %reduce_or3A_530 : vector<1xf32> to vector<1x1x1xf32>
      %reduce_or3A_532 = vector.extract %reduce_or3A_531[0, 0, 0] : f32 from vector<1x1x1xf32>
      %reduce_or3A_533 = arith.constant 0.000000e+00 : f32
      %reduce_or3A_534 = arith.cmpf ogt, %reduce_or3A_532, %reduce_or3A_533 : f32
      scf.yield %add3A_523, %select_n3A_521, %reduce_or3A_534 : i32, vector<1024x1xf32>, i1
    }
    %swap3A_494 = arith.constant 4096 : index
    %swap3A_495 = arith.constant 0 : index
    %swap3A_496 = vector.load %arg3[%swap3A_494, %swap3A_495] : memref<5120x1xf32, #tpu.memory_space<vmem>>, vector<1024x1xf32>
    tpu.vector_store %arg3[%swap3A_494, %swap3A_495], %while3A_493#1 {strides = array<i32>} : memref<5120x1xf32, #tpu.memory_space<vmem>>, vector<1024x1xf32>,
    %get3A_497 = arith.constant 0 : index
    %get3A_498 = arith.constant 4096 : index
    %get3A_499 = vector.load %arg0[%get3A_497, %get3A_498] : memref<4x5120xf32, #tpu.memory_space<vmem>>, vector<4x1024xf32>
    %dot_general3A_500 = arith.constant dense<0.000000e+00> : vector<1024x4xf32>
    %dot_general3A_501 = tpu.matmul %convert_element_type3A_11, %get3A_499, %dot_general3A_500 {dimension_numbers = #tpu.dot_dimension_numbers<[1], [1], [0], [0], [0, 0, 1, 0], [], []>, precision = #tpu.contract_precision<fp32>, transpose_lhs_hint = false} : vector<1024x1024xf32>, vector<4x1024xf32>, vector<1024x4xf32> -> vector<1024x4xf32>
    %get3A_502 = arith.constant 4096 : index
    %get3A_503 = arith.constant 0 : index
    %get3A_504 = vector.load %arg1[%get3A_502, %get3A_503] : memref<5120x1xf32, #tpu.memory_space<vmem>>, vector<1024x1xf32>
    %concatenate3A_505 = tpu.concatenate %dot_general3A_501, %get3A_504 in 1 : vector<1024x4xf32>, vector<1024x1xf32> -> vector<1024x5xf32>
    %mul3A_506 = vector.broadcast %while3A_493#1 : vector<1024x1xf32> to vector<1024x5xf32>
    %mul3A_507 = arith.mulf %concatenate3A_505, %mul3A_506 : vector<1024x5xf32>
    %swap3A_508 = arith.constant 4096 : index
    %swap3A_509 = arith.constant 0 : index
    %swap3A_510 = vector.load %arg2[%swap3A_508, %swap3A_509] : memref<5120x5xf32, #tpu.memory_space<vmem>>, vector<1024x5xf32>
    tpu.vector_store %arg2[%swap3A_508, %swap3A_509], %mul3A_507 {strides = array<i32>} : memref<5120x5xf32, #tpu.memory_space<vmem>>, vector<1024x5xf32>,
    return
  }
}

</mosaic_0001>

<sc_bundles>
// kernel: kernel.4.cloned.1.call-start
scs
__scs_entry_jumppad:
0x0: {  	(pc) =	sbr.rel $0x88, $3  }
0x1: {  	(tag) =	ssettag $0x0;
	lr =	simm.s32 $0x1  }
0x2: {  	[smem:$0x3F9F] =	sst lr;
	_ =	strace $0xD0000000  }
0x3: {  	_ = 	snop  }
0x4: {  	_ = 	snop  }
0x5: {  	_ = 	snop  }
0x6: {  	_ = 	snop  }
0x7: {  	_ = 	snop  }
__scs_overlays_trampoline_lowered:
0x8: {  	[smem:$0x3FAE] =	sst s0  }
0x9: {  	[smem:$0x3FAF] =	sst s1  }
0xa: {  	[smem:$0x3FB0] =	sst s2  }
0xb: {  	[smem:$0x3FB1] =	sst s3  }
0xc: {  	[smem:$0x3FB2] =	sst s4  }
0xd: {  	[smem:$0x3FB3] =	sst s5  }
0xe: {  	[smem:$0x3FB4] =	sst s6  }
0xf: {  	[smem:$0x3FB5] =	sst s7  }
0x10: {  	[smem:$0x3FB6] =	sst s8  }
0x11: {  	[smem:$0x3FB7] =	sst s9;
	s0 =	simm.s32 @!p0 $0x0  }
0x12: {  	s1 =	sld [smem:$0x3F9D];
	s0 =	simm.s32 @p0 $0x1  }
0x13: {  	[smem:$0x3FB8] =	sst s0;
	s0 =	simm.s32 @!p1 $0x0  }
0x14: {  	s2 =	sld [smem:$0x3F9C];
	s0 =	simm.s32 @p1 $0x1  }
0x15: {  	[smem:$0x3FB9] =	sst s0;
	s0 =	simm.s32 @!p2 $0x0  }
0x16: {  	s3 =	sld [smem:$0x3FDB];
	s0 =	simm.s32 @p2 $0x1  }
0x17: {  	s4 =	simm.s32 $0x1BF5;
	[smem:$0x3FBB] =	sst s0  }
0x18: {  	s0 =	sld [smem:$0x3F9E];
	_ =	swait.ge [sflag:s4], $0x0  }
0x19: {  	s7 =	sld [smem:$0x3F9F]  }
0x1a: {  	s8 =	sadd.s32 $0xFFFFE003, lr  }
0x1b: {  	s9 =	sadd.s32 $0xFFFFFEF7, lr;
	s5 =	simm.s32 $0xFFFFFFFF;
	p2 =	slt.u32 s8, $0xFFFFF086  }
0x1c: {  	p1 =	slt.u32 s9, $0xF7A;
	s5 =	simm.s32 @!p2 $0x0  }
0x1d: {  	s5 =	simm.s32 @p1 $0x1;
	p0 =	seq.s32 s7, s2  }
0x1e: {  	s7 =	smul.u32 @!p0 $0xF7A, s2;
	p2 =	seq.s32 @!p0 s5, $0x0  }
0x1f: {  	s9 =	smul.u32 $0xF7A, s1;
	s8 =	simm.s32 @!p0 $0x1BF5;
	p2 =	por !p2, p0  }
0x20: {  	[sflag:s8] =	ssyncset.s32 @!p0 $0xFFFFF086;
	s6 =	sadd.s32 @!p0 s3, s7;
	s7 =	simm.s32 @!p0 $0x108  }
0x21: {  	s3 =	sadd.s32 s3, s9;
	s6 =	sadd.s32 @!p0 $0x88, s6;
	s7 =	simm.s32 @p2 $0x1082  }
0x22: {  	[simem:s7], [sflag:s8] =	dma.local @!p0 [hbm:s6], $0xF7A  }
0x23: {  	s9 =	sor.u32 $0xD0000000, s2;
	s6 =	simm.s32 $0x108;
	_ =	swait.ge @!p0 [sflag:s8], $0x0  }
0x24: {  	s3 =	sadd.s32 $0x88, s3;
	s6 =	simm.s32 @!p1 $0x1082;
	[sflag:s4] =	ssyncset.s32 $0xFFFFF086  }
0x25: {  	[simem:s6], [sflag:s4] =	dma.local [hbm:s3], $0xF7A  }
0x26: {  	[smem:$0x3F9F] =	sst s1;
	(tag) =	ssettag s2;
	_ =	strace s9  }
0x27: {  	s1 =	sld [smem:$0x3FAF]  }
0x28: {  	s2 =	sld [smem:$0x3FB0]  }
0x29: {  	s4 =	sld [smem:$0x3FB2]  }
0x2a: {  	p0 =	seq.s32 s5, $0x0;
	s5 =	sld [smem:$0x3FB3]  }
0x2b: {  	s6 =	sld [smem:$0x3FB4]  }
0x2c: {  	s7 =	sld [smem:$0x3FB5]  }
0x2d: {  	s3 =	simm.s32 $0x108;
	s8 =	sld [smem:$0x3FB6]  }
0x2e: {  	s3 =	simm.s32 @!p0 $0x1082;
	s9 =	sld [smem:$0x3FB7]  }
0x2f: {  	lr =	sadd.s32 s0, s3;
	s0 =	sld [smem:$0x3FAE]  }
0x30: {  	s3 =	sld [smem:$0x3FB1]  }
0x31: {  	[smem:$0x3FBA] =	sst s10  }
0x32: {  	s10 =	sld [smem:$0x3FB8];
	_ =	sdelay $0x3  }
0x33: {  	p0 =	seq.s32 s10, $0x1;
	s10 =	sld [smem:$0x3FBA];
	_ =	sdelay $0x3  }
0x34: {  	[smem:$0x3FBA] =	sst s10  }
0x35: {  	s10 =	sld [smem:$0x3FB9];
	_ =	sdelay $0x3  }
0x36: {  	p1 =	seq.s32 s10, $0x1;
	s10 =	sld [smem:$0x3FBA];
	_ =	sdelay $0x3  }
0x37: {  	[smem:$0x3FBA] =	sst s10  }
0x38: {  	s10 =	sld [smem:$0x3FBB]  }
0x39: {  	_ = 	snop;
	(pc) =	sbr.ind lr, $3  }
0x3a: {  	_ = 	snop  }
0x3b: {  	_ = 	snop  }
0x3c: {  	p2 =	seq.s32 s10, $0x1;
	s10 =	sld [smem:$0x3FBA]  }
0x3d: {  	_ =	shalt  }
0x3e: {  	_ =	shalt  }
0x3f: {  	_ =	shalt  }
0x40: {  	_ =	shalt  }
0x41: {  	_ =	shalt  }
0x42: {  	_ =	shalt  }
0x43: {  	_ =	shalt  }
0x44: {  	_ =	shalt  }
0x45: {  	_ =	shalt  }
0x46: {  	_ =	shalt  }
0x47: {  	_ =	shalt  }
0x48: {  	_ =	shalt  }
0x49: {  	_ =	shalt  }
0x4a: {  	_ =	shalt  }
0x4b: {  	_ =	shalt  }
0x4c: {  	_ =	shalt  }
0x4d: {  	_ =	shalt  }
0x4e: {  	_ =	shalt  }
0x4f: {  	_ =	shalt  }
0x50: {  	_ =	shalt  }
0x51: {  	_ =	shalt  }
0x52: {  	_ =	shalt  }
0x53: {  	_ =	shalt  }
0x54: {  	_ =	shalt  }
0x55: {  	_ =	shalt  }
0x56: {  	_ =	shalt  }
0x57: {  	_ =	shalt  }
0x58: {  	_ =	shalt  }
0x59: {  	_ =	shalt  }
0x5a: {  	_ =	shalt  }
0x5b: {  	_ =	shalt  }
0x5c: {  	_ =	shalt  }
0x5d: {  	_ =	shalt  }
0x5e: {  	_ =	shalt  }
0x5f: {  	_ =	shalt  }
0x60: {  	_ =	shalt  }
0x61: {  	_ =	shalt  }
0x62: {  	_ =	shalt  }
0x63: {  	_ =	shalt  }
0x64: {  	_ =	shalt  }
0x65: {  	_ =	shalt  }
0x66: {  	_ =	shalt  }
0x67: {  	_ =	shalt  }
0x68: {  	_ =	shalt  }
0x69: {  	_ =	shalt  }
0x6a: {  	_ =	shalt  }
0x6b: {  	_ =	shalt  }
0x6c: {  	_ =	shalt  }
0x6d: {  	_ =	shalt  }
0x6e: {  	_ =	shalt  }
0x6f: {  	_ =	shalt  }
0x70: {  	_ =	shalt  }
0x71: {  	_ =	shalt  }
0x72: {  	_ =	shalt  }
0x73: {  	_ =	shalt  }
0x74: {  	_ =	shalt  }
0x75: {  	_ =	shalt  }
0x76: {  	_ =	shalt  }
0x77: {  	_ =	shalt  }
0x78: {  	_ =	shalt  }
0x79: {  	_ =	shalt  }
0x7a: {  	_ =	shalt  }
0x7b: {  	_ =	shalt  }
0x7c: {  	_ =	shalt  }
0x7d: {  	_ =	shalt  }
0x7e: {  	_ =	shalt  }
0x7f: {  	_ =	shalt  }
0x80: {  	_ =	shalt  }
0x81: {  	_ =	shalt  }
0x82: {  	_ =	shalt  }
0x83: {  	_ =	shalt  }
0x84: {  	_ =	shalt  }
0x85: {  	_ =	shalt  }
0x86: {  	_ =	shalt  }
0x87: {  	_ =	shalt  }
.Lfunc_end0:
.L_simem_size_0:
called_computation_lowered:
.L_overlay_start_0:
0x88: {  	s2 =	sld [smem:$0x3FD9]  }
0x89: {  	s3 =	sld [smem:$0x3FFE];
	_ =	sdelay $0x1  }
0x8a: {  	s1 =	srdreg.scid  }
0x8b: {  	s0 =	sand.u32 $0x1, s1  }
0x8c: {  	s17 =	sshll.u32 s0, $0xA;
	s2 =	sadd.s32 s3, s2  }
0x8d: {  	s2 =	sadd.s32 s2, s17  }
0x8e: {  	[smem:$0x3FC6] =	sst s2  }
0x8f: {  	_ = 	snop  }
0x90: {  	s2 =	sld [smem:$0x3FC8]  }
0x91: {  	s18 =	sld [smem:$0x3FD0];
	(tm) =	ssettm $0x1  }
0x92: {  	s4 =	sld [smem:$0x3FFB];
	_ =	sdelay $0x3  }
0x93: {  	_ =	strace s4  }
0x94: {  	s4 =	sld [smem:$0x3FFC];
	_ =	sdelay $0x3  }
0x95: {  	_ =	strace s4  }
0x96: {  	s4 =	sld [smem:$0x3FFD];
	_ =	sdelay $0x3  }
0x97: {  	_ =	strace s4  }
0x98: {  	_ =	strace $0x8FFFFFFF  }
0x99: {  	s19 =	sld [smem:$0x3FDB];
	_ =	sdelay $0x1  }
0x9a: {  	s5 =	simm.s32 $_scs_section_size  }
0x9b: {  	s6 =	simm.s32 $_size__tile_overlayer_lowered;
	s7 =	simm.s32 $_tile_overlayer_lowered  }
0x9c: {  	s22 =	simm.s32 $0x1BFF;
	s21 =	sshll.u32 s7, $0x1;
	s4 =	sadd.s32 s5, s19  }
0x9d: {  	s8 =	simm.s32 $0x0;
	s20 =	sshll.u32 s6, $0x1;
	s6 =	sadd.s32 s21, s4  }
0x9e: {  	[timem:s8], [sflag:s22] =	dma.local [hbm:s6], s20  }
0x9f: {  	_ =	swait.ge [sflag:s22], s20  }
0xa0: {  	s5 =	ssub.s32 $0x0, s20;
	[sflag:s22] =	ssyncset.done $0x0  }
0xa1: {  	[sflag:s22] =	ssyncadd.s32 s5;
	_ =	sdelay $0x1  }
0xa2: {  	s23 =	simm.s32 $0x1B8B  }
0xa3: {  	_ =	swait.ge [sflag:s23], $0x1  }
0xa4: {  	[sflag:s23] =	ssyncset.done $0x0  }
0xa5: {  	s25 =	simm.s32 $0x1B8E;
	s24 =	sld [smem:$0x3FFE];
	[sflag:s23] =	ssyncadd.s32 $0xFFFFFFFF  }
0xa6: {  	s26 =	simm.s32 $execute0_lowered;
	[smem:$0x3FD2] =	sst s25  }
0xa7: {  	s6 =	sshll.u32 s26, $0x1;
	_ =	strace $0x80000046;
	[dreg:$0x1] =	wrdreg $0xFFFFFFFF  }
0xa8: {  	s28 =	simm.s32 $_size_execute0_lowered;
	s4 =	sadd.s32 s4, s6;
	[dreg:$0x0] =	wrdreg $0x0  }
0xa9: {  	s6 =	sshll.u32 s28, $0x1;
	[dreg:$0x2] =	wrdreg s4  }
0xaa: {  	[dreg:$0x3] =	wrdreg s6  }
0xab: {  	[dreg:$0x4] =	wrdreg $0xC0  }
0xac: {  	_ =	task [dreg:s8], $0x5FFFF  }
0xad: {  	[dreg:$0x1] =	wrdreg $0xFFFFFFFF  }
0xae: {  	[dreg:$0x0] =	wrdreg $0x60  }
0xaf: {  	[dreg:$0x2] =	wrdreg s18  }
0xb0: {  	[dreg:$0x3] =	wrdreg s2  }
0xb1: {  	[dreg:$0x4] =	wrdreg s24  }
0xb2: {  	[dreg:$0x5] =	wrdreg $0x9  }
0xb3: {  	_ =	task.clear_ibuf [dreg:s8], $0x6FFFF;
	_ =	strace $0x90000046  }
0xb4: {  	s29 =	simm.s32 $0x9;
	_ =	strace $0x80000048  }
0xb5: {  	_ =	swait.ge [sflag:s29], $0x1  }
0xb6: {  	[sflag:s29] =	ssyncadd.s32 $0xFFFFFFFF  }
0xb7: {  	_ =	strace $0x90000048  }
0xb8: {  	_ =	sfence  }
0xb9: {  	s30 =	sld [smem:$0x0];
	_ =	sdelay $0x2  }
0xba: {  	s31 =	sshll.u32 s1, $0xD;
	s1 =	sshrl.u32 s1, $0x2  }
0xbb: {  	s3 =	sand.u32 $0x4000, s31;
	s1 =	sadd.s32 s1, s30  }
0xbc: {  	s0 =	sor.u32 s3, s0;
	s1 =	sshll.u32 s1, $0x11  }
0xbd: {  	s0 =	sor.u32 s1, s0  }
0xbe: {  	s0 =	sadd.s32 $0x8F2B, s0  }
0xbf: {  	[sflag:s0] =	ssyncadd.remote.s32 $0x1  }
0xc0: {  	_ =	sfence.sel $0xFFFF  }
0xc1: {  	[dreg:$0x0] =	wrdreg $0xFFFFFFFF;
	(pc) =	sbr.abs _section_cstart, $3  }
0xc2: {  	[dreg:$0x1] =	wrdreg $0xFFFFFFFF  }
0xc3: {  	_ =	task.clear_ibuf [dreg:s8], $0x2FFFF;
	_ =	strace $0x9FFFFFFF  }
0xc4: {  	(tm) =	ssettm $0x7FFFFFFF  }
0xc5: {  	_ =	shalt  }
tec
execute0_lowered:
.L_overlay_start_1:
0x0: {  	(tag) =	ssettag $0x1  }
0x1: {  	s1 =	srdreg.scid;
	s0 =	stileid.u32  }
0x2: {  	s1 =	sand.u32 $0x1, s1;
	s2 =	sshll.u32 s0, $0x1  }
0x3: {  	s2 =	sor.u32 s1, s2  }
0x4: {  	s3 =	smul.u32 $0xA0, s2  }
0x5: {  	s4 =	rddreg [dreg:$0x0]  }
0x6: {  	s6 =	rddreg [dreg:$0x2];
	s2 =	simm.s32 $0x0;
	s3 =	sshrl.u32 s3, $0x3  }
0x7: {  	[smem:$0x7FF] =	sst s2;
	s6 =	sadd.s32 s6, s3  }
0x8: {  	s5 =	rddreg [dreg:$0x1];
	_ =	strace $0x80000047;
	s3 =	sadd.s32 $0x400, s6  }
0x9: {  	[tilespmem:s2], [sflag:$0x2] =	stream.linear.gather [hbm4b:s6+s2], $0xA0, $0x38;
	[tilespmem:$0x700] =	vst v63  }
0xa: {  	s7 =	simm.s32 $0x2;
	[dreg:$0x4] =	wrdreg s3  }
0xb: {  	_ =	swait.ge [sflag:s7], $0xA0  }
0xc: {  	[sflag:s7] =	ssyncset.done $0x0  }
0xd: {  	s8 =	simm.s32 $0x50;
	s3 =	simm.s32 $0x600;
	[sflag:s7] =	ssyncadd.s32 $0xFFFFFF60  }
0xe: {  	[tilespmem:s3], [sflag:$0x1] =	stream.indirect.gather [hbm4b:s5+s8], $0x1, s2, s8, $0xb8;
	[tilespmem:$0x700] =	vst v63  }
0xf: {  	s9 =	simm.s32 $0x650  }
0x10: {  	[tilespmem:s9], [sflag:$0x1] =	stream.indirect.gather [hbm4b:s5+s8], $0x1, s8, s8, $0xb8;
	[tilespmem:$0x700] =	vst v63  }
0x11: {  	v0 =	vld [tilespmem:$0x90]  }
0x12: {  	v1 =	vld [tilespmem:$0x50]  }
0x13: {  	v2 =	vld [tilespmem:$0x60]  }
0x14: {  	v3 =	vld [tilespmem:$0x70]  }
0x15: {  	v4 =	vld [tilespmem:$0x80]  }
0x16: {  	v5 =	vld [tilespmem:$0x30];
	[tilespmem:$0x190] =	vst v0  }
0x17: {  	v9 =	vld [tilespmem:$0x0];
	[tilespmem:$0x150] =	vst v1  }
0x18: {  	v10 =	vld [tilespmem:$0x40];
	[tilespmem:$0x160] =	vst v2  }
0x19: {  	v11 =	vld [tilespmem:$0x20];
	[tilespmem:$0x170] =	vst v3  }
0x1a: {  	v12 =	vld [tilespmem:$0x10];
	[tilespmem:$0x180] =	vst v4  }
0x1b: {  	[tilespmem:$0x130] =	vst v5  }
0x1c: {  	[tilespmem:$0x100] =	vst v9  }
0x1d: {  	[tilespmem:$0x140] =	vst v10  }
0x1e: {  	[tilespmem:$0x120] =	vst v11  }
0x1f: {  	s11 =	simm.s32 $0x100;
	s10 =	simm.s32 $0x380;
	[tilespmem:$0x110] =	vst v12  }
0x20: {  	[tilespmem:s10], [sflag:$0x1] =	stream.indirect.gather [hbm4b:s4+s8], $0x1, s11, s8, $0xb8;
	[tilespmem:$0x700] =	vst v63  }
0x21: {  	s12 =	simm.s32 $0x150;
	s13 =	simm.s32 $0x3D0  }
0x22: {  	[tilespmem:s13], [sflag:$0x1] =	stream.indirect.gather [hbm4b:s4+s8], $0x1, s12, s8, $0xb8;
	[tilespmem:$0x700] =	vst v63  }
0x23: {  	v13 =	vld [tilespmem:$0x70]  }
0x24: {  	v14 =	vld [tilespmem:$0x20]  }
0x25: {  	v15 =	vld [tilespmem:$0x30]  }
0x26: {  	v16 =	vld [tilespmem:$0x10]  }
0x27: {  	v17 =	vld [tilespmem:$0x90]  }
0x28: {  	v18 =	vld [tilespmem:$0x40];
	v0 =	vadd.s32 $0x1388, v13  }
0x29: {  	v20 =	vld [tilespmem:$0x80];
	v19 =	vadd.s32 $0x1388, v14;
	[tilespmem:$0x210] =	vst v0  }
0x2a: {  	v6 =	vld [tilespmem:$0x0];
	v2 =	vadd.s32 $0x1388, v15;
	[tilespmem:$0x1C0] =	vst v19  }
0x2b: {  	v22 =	vld [tilespmem:$0x60];
	v3 =	vadd.s32 $0x1388, v16;
	[tilespmem:$0x1D0] =	vst v2  }
0x2c: {  	v21 =	vld [tilespmem:$0x50];
	v4 =	vadd.s32 $0x1388, v17;
	[tilespmem:$0x1B0] =	vst v3  }
0x2d: {  	v23 =	vadd.s32 $0x1388, v18;
	[tilespmem:$0x230] =	vst v4  }
0x2e: {  	v1 =	vadd.s32 $0x1388, v20;
	[tilespmem:$0x1E0] =	vst v23  }
0x2f: {  	v24 =	vadd.s32 $0x1388, v6;
	[tilespmem:$0x220] =	vst v1  }
0x30: {  	v25 =	vadd.s32 $0x1388, v22;
	[tilespmem:$0x1A0] =	vst v24  }
0x31: {  	v0 =	vadd.s32 $0x1388, v21;
	[tilespmem:$0x200] =	vst v25  }
0x32: {  	s15 =	simm.s32 $0x1A0;
	s14 =	simm.s32 $0x420;
	[tilespmem:$0x1F0] =	vst v0  }
0x33: {  	[tilespmem:s14], [sflag:$0x1] =	stream.indirect.gather [hbm4b:s4+s8], $0x1, s15, s8, $0xb8;
	[tilespmem:$0x700] =	vst v63  }
0x34: {  	s16 =	simm.s32 $0x1F0;
	s17 =	simm.s32 $0x470  }
0x35: {  	[tilespmem:s17], [sflag:$0x1] =	stream.indirect.gather [hbm4b:s4+s8], $0x1, s16, s8, $0xb8;
	[tilespmem:$0x700] =	vst v63  }
0x36: {  	v26 =	vld [tilespmem:$0x10]  }
0x37: {  	v27 =	vld [tilespmem:$0x20]  }
0x38: {  	v28 =	vld [tilespmem:$0x30]  }
0x39: {  	v29 =	vld [tilespmem:$0x40]  }
0x3a: {  	v30 =	vld [tilespmem:$0x50]  }
0x3b: {  	v31 =	vld [tilespmem:$0x60];
	v0 =	vadd.s32 $0x2710, v26  }
0x3c: {  	v33 =	vld [tilespmem:$0x70];
	v32 =	vadd.s32 $0x2710, v27;
	[tilespmem:$0x250] =	vst v0  }
0x3d: {  	v35 =	vld [tilespmem:$0x80];
	v34 =	vadd.s32 $0x2710, v28;
	[tilespmem:$0x260] =	vst v32  }
0x3e: {  	v37 =	vld [tilespmem:$0x90];
	v36 =	vadd.s32 $0x2710, v29;
	[tilespmem:$0x270] =	vst v34  }
0x3f: {  	v38 =	vld [tilespmem:$0x0];
	v39 =	vadd.s32 $0x2710, v30;
	[tilespmem:$0x280] =	vst v36  }
0x40: {  	v40 =	vadd.s32 $0x2710, v31;
	[tilespmem:$0x290] =	vst v39  }
0x41: {  	v41 =	vadd.s32 $0x2710, v33;
	[tilespmem:$0x2A0] =	vst v40  }
0x42: {  	v42 =	vadd.s32 $0x2710, v35;
	[tilespmem:$0x2B0] =	vst v41  }
0x43: {  	v43 =	vadd.s32 $0x2710, v37;
	[tilespmem:$0x2C0] =	vst v42  }
0x44: {  	v44 =	vadd.s32 $0x2710, v38;
	[tilespmem:$0x2D0] =	vst v43  }
0x45: {  	s19 =	simm.s32 $0x240;
	s18 =	simm.s32 $0x4C0;
	[tilespmem:$0x240] =	vst v44  }
0x46: {  	[tilespmem:s18], [sflag:$0x1] =	stream.indirect.gather [hbm4b:s4+s8], $0x1, s19, s8, $0xb8;
	[tilespmem:$0x700] =	vst v63  }
0x47: {  	s20 =	simm.s32 $0x290;
	s22 =	simm.s32 $0x510  }
0x48: {  	[tilespmem:s22], [sflag:$0x1] =	stream.indirect.gather [hbm4b:s4+s8], $0x1, s20, s8, $0xb8;
	[tilespmem:$0x700] =	vst v63  }
0x49: {  	v45 =	vld [tilespmem:$0x10]  }
0x4a: {  	v46 =	vld [tilespmem:$0x20]  }
0x4b: {  	v47 =	vld [tilespmem:$0x40]  }
0x4c: {  	v48 =	vld [tilespmem:$0x50]  }
0x4d: {  	v49 =	vld [tilespmem:$0x60]  }
0x4e: {  	v50 =	vld [tilespmem:$0x70];
	v0 =	vadd.s32 $0x3A98, v45  }
0x4f: {  	v52 =	vld [tilespmem:$0x80];
	v51 =	vadd.s32 $0x3A98, v46;
	[tilespmem:$0x2F0] =	vst v0  }
0x50: {  	v54 =	vld [tilespmem:$0x90];
	v53 =	vadd.s32 $0x3A98, v47;
	[tilespmem:$0x300] =	vst v51  }
0x51: {  	v55 =	vld [tilespmem:$0x30];
	v56 =	vadd.s32 $0x3A98, v48;
	[tilespmem:$0x320] =	vst v53  }
0x52: {  	v57 =	vld [tilespmem:$0x0];
	v58 =	vadd.s32 $0x3A98, v49;
	[tilespmem:$0x330] =	vst v56  }
0x53: {  	v59 =	vadd.s32 $0x3A98, v50;
	[tilespmem:$0x340] =	vst v58  }
0x54: {  	v60 =	vadd.s32 $0x3A98, v52;
	[tilespmem:$0x350] =	vst v59  }
0x55: {  	v61 =	vadd.s32 $0x3A98, v54;
	[tilespmem:$0x360] =	vst v60  }
0x56: {  	v62 =	vadd.s32 $0x3A98, v55;
	[tilespmem:$0x370] =	vst v61  }
0x57: {  	v63 =	vadd.s32 $0x3A98, v57;
	[tilespmem:$0x310] =	vst v62  }
0x58: {  	s24 =	simm.s32 $0x2E0;
	s23 =	simm.s32 $0x560;
	[tilespmem:$0x2E0] =	vst v63  }
0x59: {  	[tilespmem:s23], [sflag:$0x1] =	stream.indirect.gather [hbm4b:s4+s8], $0x1, s24, s8, $0xb8;
	[tilespmem:$0x700] =	vst v63  }
0x5a: {  	s25 =	simm.s32 $0x330;
	s26 =	simm.s32 $0x5B0;
	s21 =	simm.s32 $0x1  }
0x5b: {  	[tilespmem:s26], [sflag:$0x1] =	stream.indirect.gather [hbm4b:s4+s8], $0x1, s25, s8, $0xb8;
	[tilespmem:$0x700] =	vst v63  }
0x5c: {  	_ =	swait.ge [sflag:s21], $0x50  }
0x5d: {  	[sflag:s21] =	ssyncset.done $0x0  }
0x5e: {  	[sflag:s21] =	ssyncadd.s32 $0xFFFFFFB0  }
0x5f: {  	s1 =	ssub.s32 $0x2, s1;
	_ =	swait.ge [sflag:s21], $0x50  }
0x60: {  	s28 =	sshrl.u32 s1, $0x1;
	[sflag:s21] =	ssyncset.done $0x0  }
0x61: {  	s1 =	ssub.s32 s1, s28;
	[sflag:s21] =	ssyncadd.s32 $0xFFFFFFB0  }
0x62: {  	s1 =	smax.u32 s1, $0x1;
	_ =	swait.ge [sflag:s21], $0x50  }
0x63: {  	p0 =	sne.s32 s1, $0x1;
	[sflag:s21] =	ssyncset.done $0x0  }
.Ltmp0:
0x64: {  	[sflag:s21] =	ssyncadd.s32 $0xFFFFFFB0;
	(pc) =	sbr.rel @!p0 .LBB2_2-.Ltmp0, $4  }
0x65: {  	_ =	swait.ge [sflag:s21], $0x50  }
0x66: {  	s1 =	sadd.s32 $0xFFFFFFFF, s1;
	[sflag:s21] =	ssyncset.done $0x0  }
0x67: {  	s28 =	sadd.s32 $0x680, s6;
	s29 =	sadd.s32 $0x900, s6;
	[sflag:s21] =	ssyncadd.s32 $0xFFFFFFB0  }
0x68: {  	s30 =	sadd.s32 $0xB80, s6;
	s31 =	sadd.s32 $0xE00, s6;
	_ =	swait.ge [sflag:s21], $0x50  }
.LBB2_1:
0x69: {  	[sflag:s21] =	ssyncset.done $0x0  }
0x6a: {  	[sflag:s21] =	ssyncadd.s32 $0xFFFFFFB0  }
0x6b: {  	_ =	swait.ge [sflag:s21], $0x50  }
0x6c: {  	[sflag:s21] =	ssyncset.done $0x0  }
0x6d: {  	[sflag:s21] =	ssyncadd.s32 $0xFFFFFFB0  }
0x6e: {  	_ =	swait.ge [sflag:s21], $0x50  }
0x6f: {  	[sflag:s21] =	ssyncset.done $0x0  }
0x70: {  	[sflag:s21] =	ssyncadd.s32 $0xFFFFFFB0  }
0x71: {  	_ =	swait.ge [sflag:s21], $0x50  }
0x72: {  	[sflag:s21] =	ssyncset.done $0x0  }
0x73: {  	[sflag:s21] =	ssyncadd.s32 $0xFFFFFFB0  }
0x74: {  	_ =	swait.ge [sflag:s21], $0x50  }
0x75: {  	[sflag:s21] =	ssyncset.done $0x0  }
0x76: {  	[sflag:s21] =	ssyncadd.s32 $0xFFFFFFB0  }
0x77: {  	_ =	swait.ge [sflag:s21], $0x50  }
0x78: {  	[sflag:s21] =	ssyncset.done $0x0  }
0x79: {  	s0 =	rddreg [dreg:$0x4];
	[sflag:s21] =	ssyncadd.s32 $0xFFFFFFB0  }
0x7a: {  	[hbm4b:s0+s2] =	stream.linear.scatter [tilespmem:s10], [sflag:$0x1], $0xA0, $0x38;
	[tilespmem:$0x700] =	vst v63  }
0x7b: {  	_ = 	snop  }
0x7c: {  	[hbm4b:s28+s2] =	stream.linear.scatter [tilespmem:s14], [sflag:$0x1], $0xA0, $0x38;
	[tilespmem:$0x700] =	vst v63  }
0x7d: {  	_ = 	snop  }
0x7e: {  	[hbm4b:s29+s2] =	stream.linear.scatter [tilespmem:s18], [sflag:$0x1], $0xA0, $0x38;
	[tilespmem:$0x700] =	vst v63  }
0x7f: {  	_ = 	snop  }
0x80: {  	[hbm4b:s30+s2] =	stream.linear.scatter [tilespmem:s23], [sflag:$0x1], $0xA0, $0x38;
	[tilespmem:$0x700] =	vst v63  }
0x81: {  	_ = 	snop  }
0x82: {  	[hbm4b:s31+s2] =	stream.linear.scatter [tilespmem:s3], [sflag:$0x1], $0xA0, $0x38;
	[tilespmem:$0x700] =	vst v63  }
0x83: {  	_ =	swait.ge [sflag:s21], $0xA0  }
0x84: {  	[sflag:s21] =	ssyncset.done $0x0  }
0x85: {  	[sflag:s21] =	ssyncadd.s32 $0xFFFFFF60  }
0x86: {  	_ =	swait.ge [sflag:s21], $0xA0  }
0x87: {  	[sflag:s21] =	ssyncset.done $0x0  }
0x88: {  	[sflag:s21] =	ssyncadd.s32 $0xFFFFFF60  }
0x89: {  	_ =	swait.ge [sflag:s21], $0xA0  }
0x8a: {  	[sflag:s21] =	ssyncset.done $0x0  }
0x8b: {  	[sflag:s21] =	ssyncadd.s32 $0xFFFFFF60  }
0x8c: {  	_ =	swait.ge [sflag:s21], $0xA0  }
0x8d: {  	[sflag:s21] =	ssyncset.done $0x0  }
0x8e: {  	[sflag:s21] =	ssyncadd.s32 $0xFFFFFF60  }
0x8f: {  	_ =	swait.ge [sflag:s21], $0xA0  }
0x90: {  	[sflag:s21] =	ssyncset.done $0x0  }
0x91: {  	[sflag:s21] =	ssyncadd.s32 $0xFFFFFF60  }
0x92: {  	[tilespmem:s2], [sflag:$0x2] =	stream.linear.gather [hbm4b:s6+s2], $0xA0, $0x38;
	[tilespmem:$0x700] =	vst v63  }
0x93: {  	_ =	swait.ge [sflag:s7], $0xA0  }
0x94: {  	[sflag:s7] =	ssyncset.done $0x0  }
0x95: {  	[sflag:s7] =	ssyncadd.s32 $0xFFFFFF60  }
0x96: {  	[tilespmem:s3], [sflag:$0x1] =	stream.indirect.gather [hbm4b:s5+s8], $0x1, s2, s8, $0xb8;
	[tilespmem:$0x700] =	vst v63  }
0x97: {  	_ = 	snop  }
0x98: {  	[tilespmem:s9], [sflag:$0x1] =	stream.indirect.gather [hbm4b:s5+s8], $0x1, s8, s8, $0xb8;
	[tilespmem:$0x700] =	vst v63  }
0x99: {  	v0 =	vld [tilespmem:$0x90]  }
0x9a: {  	v1 =	vld [tilespmem:$0x50]  }
0x9b: {  	v2 =	vld [tilespmem:$0x60]  }
0x9c: {  	v3 =	vld [tilespmem:$0x70]  }
0x9d: {  	v4 =	vld [tilespmem:$0x80]  }
0x9e: {  	v5 =	vld [tilespmem:$0x30];
	[tilespmem:$0x190] =	vst v0  }
0x9f: {  	v14 =	vld [tilespmem:$0x0];
	[tilespmem:$0x150] =	vst v1  }
0xa0: {  	v15 =	vld [tilespmem:$0x40];
	[tilespmem:$0x160] =	vst v2  }
0xa1: {  	v16 =	vld [tilespmem:$0x20];
	[tilespmem:$0x170] =	vst v3  }
0xa2: {  	v17 =	vld [tilespmem:$0x10];
	[tilespmem:$0x180] =	vst v4  }
0xa3: {  	[tilespmem:$0x130] =	vst v5  }
0xa4: {  	[tilespmem:$0x100] =	vst v14  }
0xa5: {  	[tilespmem:$0x140] =	vst v15  }
0xa6: {  	[tilespmem:$0x120] =	vst v16  }
0xa7: {  	[tilespmem:$0x110] =	vst v17  }
0xa8: {  	[tilespmem:s10], [sflag:$0x1] =	stream.indirect.gather [hbm4b:s4+s8], $0x1, s11, s8, $0xb8;
	[tilespmem:$0x700] =	vst v63  }
0xa9: {  	_ = 	snop  }
0xaa: {  	[tilespmem:s13], [sflag:$0x1] =	stream.indirect.gather [hbm4b:s4+s8], $0x1, s12, s8, $0xb8;
	[tilespmem:$0x700] =	vst v63  }
0xab: {  	v19 =	vld [tilespmem:$0x70]  }
0xac: {  	v21 =	vld [tilespmem:$0x20]  }
0xad: {  	v20 =	vld [tilespmem:$0x30]  }
0xae: {  	v22 =	vld [tilespmem:$0x10]  }
0xaf: {  	v23 =	vld [tilespmem:$0x90]  }
0xb0: {  	v18 =	vld [tilespmem:$0x40];
	v1 =	vadd.s32 $0x1388, v19  }
0xb1: {  	v25 =	vld [tilespmem:$0x80];
	v24 =	vadd.s32 $0x1388, v21;
	[tilespmem:$0x210] =	vst v1  }
0xb2: {  	v7 =	vld [tilespmem:$0x0];
	v2 =	vadd.s32 $0x1388, v20;
	[tilespmem:$0x1C0] =	vst v24  }
0xb3: {  	v6 =	vld [tilespmem:$0x50];
	v4 =	vadd.s32 $0x1388, v22;
	[tilespmem:$0x1D0] =	vst v2  }
0xb4: {  	v26 =	vld [tilespmem:$0x60];
	v27 =	vadd.s32 $0x1388, v23;
	[tilespmem:$0x1B0] =	vst v4  }
0xb5: {  	v0 =	vadd.s32 $0x1388, v18;
	[tilespmem:$0x230] =	vst v27  }
0xb6: {  	v30 =	vadd.s32 $0x1388, v25;
	[tilespmem:$0x1E0] =	vst v0  }
0xb7: {  	v29 =	vadd.s32 $0x1388, v7;
	[tilespmem:$0x220] =	vst v30  }
0xb8: {  	v28 =	vadd.s32 $0x1388, v6;
	[tilespmem:$0x1A0] =	vst v29  }
0xb9: {  	v1 =	vadd.s32 $0x1388, v26;
	[tilespmem:$0x1F0] =	vst v28  }
0xba: {  	[tilespmem:$0x200] =	vst v1  }
0xbb: {  	[tilespmem:s14], [sflag:$0x1] =	stream.indirect.gather [hbm4b:s4+s8], $0x1, s15, s8, $0xb8;
	[tilespmem:$0x700] =	vst v63  }
0xbc: {  	_ = 	snop  }
0xbd: {  	[tilespmem:s17], [sflag:$0x1] =	stream.indirect.gather [hbm4b:s4+s8], $0x1, s16, s8, $0xb8;
	[tilespmem:$0x700] =	vst v63  }
0xbe: {  	v32 =	vld [tilespmem:$0x10]  }
0xbf: {  	v31 =	vld [tilespmem:$0x20]  }
0xc0: {  	v34 =	vld [tilespmem:$0x30]  }
0xc1: {  	v35 =	vld [tilespmem:$0x40]  }
0xc2: {  	v36 =	vld [tilespmem:$0x50]  }
0xc3: {  	v37 =	vld [tilespmem:$0x60];
	v1 =	vadd.s32 $0x2710, v32  }
0xc4: {  	v38 =	vld [tilespmem:$0x70];
	v0 =	vadd.s32 $0x2710, v31;
	[tilespmem:$0x250] =	vst v1  }
0xc5: {  	v40 =	vld [tilespmem:$0x80];
	v39 =	vadd.s32 $0x2710, v34;
	[tilespmem:$0x260] =	vst v0  }
0xc6: {  	v42 =	vld [tilespmem:$0x90];
	v41 =	vadd.s32 $0x2710, v35;
	[tilespmem:$0x270] =	vst v39  }
0xc7: {  	v33 =	vld [tilespmem:$0x0];
	v43 =	vadd.s32 $0x2710, v36;
	[tilespmem:$0x280] =	vst v41  }
0xc8: {  	v44 =	vadd.s32 $0x2710, v37;
	[tilespmem:$0x290] =	vst v43  }
0xc9: {  	v45 =	vadd.s32 $0x2710, v38;
	[tilespmem:$0x2A0] =	vst v44  }
0xca: {  	v46 =	vadd.s32 $0x2710, v40;
	[tilespmem:$0x2B0] =	vst v45  }
0xcb: {  	v47 =	vadd.s32 $0x2710, v42;
	[tilespmem:$0x2C0] =	vst v46  }
0xcc: {  	v2 =	vadd.s32 $0x2710, v33;
	[tilespmem:$0x2D0] =	vst v47  }
0xcd: {  	[tilespmem:$0x240] =	vst v2  }
0xce: {  	[tilespmem:s18], [sflag:$0x1] =	stream.indirect.gather [hbm4b:s4+s8], $0x1, s19, s8, $0xb8;
	[tilespmem:$0x700] =	vst v63  }
0xcf: {  	_ = 	snop  }
0xd0: {  	[tilespmem:s22], [sflag:$0x1] =	stream.indirect.gather [hbm4b:s4+s8], $0x1, s20, s8, $0xb8;
	[tilespmem:$0x700] =	vst v63  }
0xd1: {  	v49 =	vld [tilespmem:$0x10]  }
0xd2: {  	v50 =	vld [tilespmem:$0x20]  }
0xd3: {  	v51 =	vld [tilespmem:$0x40]  }
0xd4: {  	v52 =	vld [tilespmem:$0x50]  }
0xd5: {  	v48 =	vld [tilespmem:$0x60]  }
0xd6: {  	v56 =	vld [tilespmem:$0x70];
	v1 =	vadd.s32 $0x3A98, v49  }
0xd7: {  	v57 =	vld [tilespmem:$0x80];
	v55 =	vadd.s32 $0x3A98, v50;
	[tilespmem:$0x2F0] =	vst v1  }
0xd8: {  	v58 =	vld [tilespmem:$0x90];
	v3 =	vadd.s32 $0x3A98, v51;
	[tilespmem:$0x300] =	vst v55  }
0xd9: {  	v54 =	vld [tilespmem:$0x30];
	v59 =	vadd.s32 $0x3A98, v52;
	[tilespmem:$0x320] =	vst v3  }
0xda: {  	v53 =	vld [tilespmem:$0x0];
	v0 =	vadd.s32 $0x3A98, v48;
	[tilespmem:$0x330] =	vst v59  }
0xdb: {  	v61 =	vadd.s32 $0x3A98, v56;
	[tilespmem:$0x340] =	vst v0  }
0xdc: {  	v62 =	vadd.s32 $0x3A98, v57;
	[tilespmem:$0x350] =	vst v61  }
0xdd: {  	v63 =	vadd.s32 $0x3A98, v58;
	[tilespmem:$0x360] =	vst v62  }
0xde: {  	v60 =	vadd.s32 $0x3A98, v54;
	[tilespmem:$0x370] =	vst v63  }
0xdf: {  	v5 =	vadd.s32 $0x3A98, v53;
	[tilespmem:$0x310] =	vst v60  }
0xe0: {  	[tilespmem:$0x2E0] =	vst v5  }
0xe1: {  	[tilespmem:s23], [sflag:$0x1] =	stream.indirect.gather [hbm4b:s4+s8], $0x1, s24, s8, $0xb8;
	[tilespmem:$0x700] =	vst v63  }
0xe2: {  	_ = 	snop  }
0xe3: {  	[tilespmem:s26], [sflag:$0x1] =	stream.indirect.gather [hbm4b:s4+s8], $0x1, s25, s8, $0xb8;
	[tilespmem:$0x700] =	vst v63  }
0xe4: {  	_ =	swait.ge [sflag:s21], $0x50  }
0xe5: {  	[sflag:s21] =	ssyncset.done $0x0  }
0xe6: {  	[sflag:s21] =	ssyncadd.s32 $0xFFFFFFB0  }
0xe7: {  	_ =	swait.ge [sflag:s21], $0x50  }
0xe8: {  	[sflag:s21] =	ssyncset.done $0x0  }
0xe9: {  	[sflag:s21] =	ssyncadd.s32 $0xFFFFFFB0  }
0xea: {  	_ =	swait.ge [sflag:s21], $0x50  }
0xeb: {  	p0 =	sne.s32 s1, $0x1;
	[sflag:s21] =	ssyncset.done $0x0  }
.Ltmp1:
0xec: {  	[sflag:s21] =	ssyncadd.s32 $0xFFFFFFB0;
	(pc) =	sbr.rel @p0 .LBB2_1-.Ltmp1, $4  }
0xed: {  	_ =	swait.ge [sflag:s21], $0x50  }
0xee: {  	[sflag:s21] =	ssyncset.done $0x0  }
0xef: {  	[sflag:s21] =	ssyncadd.s32 $0xFFFFFFB0  }
0xf0: {  	s1 =	sadd.s32 $0xFFFFFFFF, s1;
	_ =	swait.ge [sflag:s21], $0x50  }
.LBB2_2:
0xf1: {  	[sflag:s21] =	ssyncset.done $0x0  }
0xf2: {  	[sflag:s21] =	ssyncadd.s32 $0xFFFFFFB0  }
0xf3: {  	_ =	swait.ge [sflag:s21], $0x50  }
0xf4: {  	[sflag:s21] =	ssyncset.done $0x0  }
0xf5: {  	[sflag:s21] =	ssyncadd.s32 $0xFFFFFFB0  }
0xf6: {  	_ =	swait.ge [sflag:s21], $0x50  }
0xf7: {  	[sflag:s21] =	ssyncset.done $0x0  }
0xf8: {  	[sflag:s21] =	ssyncadd.s32 $0xFFFFFFB0  }
0xf9: {  	_ =	swait.ge [sflag:s21], $0x50  }
0xfa: {  	[sflag:s21] =	ssyncset.done $0x0  }
0xfb: {  	[sflag:s21] =	ssyncadd.s32 $0xFFFFFFB0  }
0xfc: {  	_ =	swait.ge [sflag:s21], $0x50  }
0xfd: {  	[sflag:s21] =	ssyncset.done $0x0  }
0xfe: {  	[sflag:s21] =	ssyncadd.s32 $0xFFFFFFB0  }
0xff: {  	_ =	swait.ge [sflag:s21], $0x50  }
0x100: {  	[sflag:s21] =	ssyncset.done $0x0  }
0x101: {  	s0 =	rddreg [dreg:$0x4];
	[sflag:s21] =	ssyncadd.s32 $0xFFFFFFB0  }
0x102: {  	[hbm4b:s0+s2] =	stream.linear.scatter [tilespmem:s10], [sflag:$0x1], $0xA0, $0x38;
	[tilespmem:$0x700] =	vst v63  }
0x103: {  	_ = 	snop  }
0x104: {  	[hbm4b:s28+s2] =	stream.linear.scatter [tilespmem:s14], [sflag:$0x1], $0xA0, $0x38;
	[tilespmem:$0x700] =	vst v63  }
0x105: {  	_ = 	snop  }
0x106: {  	[hbm4b:s29+s2] =	stream.linear.scatter [tilespmem:s18], [sflag:$0x1], $0xA0, $0x38;
	[tilespmem:$0x700] =	vst v63  }
0x107: {  	_ = 	snop  }
0x108: {  	[hbm4b:s30+s2] =	stream.linear.scatter [tilespmem:s23], [sflag:$0x1], $0xA0, $0x38;
	[tilespmem:$0x700] =	vst v63  }
0x109: {  	_ = 	snop  }
0x10a: {  	[hbm4b:s31+s2] =	stream.linear.scatter [tilespmem:s3], [sflag:$0x1], $0xA0, $0x38;
	[tilespmem:$0x700] =	vst v63  }
0x10b: {  	_ =	swait.ge [sflag:s21], $0xA0  }
0x10c: {  	[sflag:s21] =	ssyncset.done $0x0  }
0x10d: {  	[sflag:s21] =	ssyncadd.s32 $0xFFFFFF60  }
0x10e: {  	_ =	swait.ge [sflag:s21], $0xA0  }
0x10f: {  	[sflag:s21] =	ssyncset.done $0x0  }
0x110: {  	[sflag:s21] =	ssyncadd.s32 $0xFFFFFF60  }
0x111: {  	_ =	swait.ge [sflag:s21], $0xA0  }
0x112: {  	[sflag:s21] =	ssyncset.done $0x0  }
0x113: {  	[sflag:s21] =	ssyncadd.s32 $0xFFFFFF60  }
0x114: {  	_ =	swait.ge [sflag:s21], $0xA0  }
0x115: {  	[sflag:s21] =	ssyncset.done $0x0  }
0x116: {  	[sflag:s21] =	ssyncadd.s32 $0xFFFFFF60  }
0x117: {  	_ =	swait.ge [sflag:s21], $0xA0  }
0x118: {  	[sflag:s21] =	ssyncset.done $0x0  }
0x119: {  	[sflag:s21] =	ssyncadd.s32 $0xFFFFFF60  }
0x11a: {  	_ =	sfence.sel $0x180000  }
0x11b: {  	[bflag:$0x0] =	sbarrier.arrive $0xFFFF  }
0x11c: {  	_ =	strace $0x90000047  }
0x11d: {  	s31 =	stileid.u32;
	[bflag:$0x2] =	sbarrier.arrive $0xFFFF  }
0x11e: {  	p0 =	sne.s32 s31, $0x0;
	s0 =	rddreg [dreg:$0x3]  }
0x11f: {  	s0 =	sadd.s32 @!p0 $0x100000, s0  }
0x120: {  	[sflag:s0] =	ssyncadd.tile.s32 @!p0 $0x1;
	_ =	shalt  }
.Lfunc_end2:
_tile_overlayer_lowered:
.L_overlay_start_2:
0x121: {  	(tag) =	ssettag $0x2  }
0x122: {  	s0 =	rddreg [dreg:$0x0];
	s2 =	stileid.u32  }
0x123: {  	s1 =	rddreg [dreg:$0x1];
	p0 =	sne.s32 s2, $0x0  }
0x124: {  	s3 =	rddreg [dreg:$0x2];
	[bflag:$0x3] =	sbarrier.arrive $0xFFFF;
	s2 =	simm.s32 @!p0 $0x1C02  }
0x125: {  	[timem:s3], [sflag:s2] =	dma.local @!p0 [hbm:s0], s1  }
0x126: {  	s0 =	simm.s32 @!p0 $0x2  }
0x127: {  	_ =	swait.ge @!p0 [sflag:s0], s1  }
0x128: {  	s1 =	ssub.s32 @!p0 $0x0, s1;
	[sflag:s0] =	ssyncset.done @!p0 $0x0  }
0x129: {  	[sflag:s0] =	ssyncadd.s32 @!p0 s1  }
0x12a: {  	[bflag:$0x3] =	sbarrier.arrive $0xFFFF  }
0x12b: {  	_ =	shalt  }

</sc_bundles>
